<compile_context>
chip_gen: v7x
topology: tpu7x:2x2x1
jax: 0.10.2.dev20260603
libtpu: 0.0.44.dev20260713+nightly
codegen_flags: <defaults>
</compile_context>

<pallas_src>
import functools

import numpy as np
import jax
import jax.numpy as jnp
from jax import lax
from jax.experimental import pallas as pl
from jax.experimental.pallas import tpu as pltpu
from jax.experimental.pallas import tpu_sc as plsc

_LEVELS = [
    (64, 64, 8, -1.0, 64.0),
    (32, 32, 16, 64.0, 128.0),
    (16, 16, 32, 128.0, 256.0),
    (8, 8, 64, 256.0, 512.0),
    (4, 4, 128, 512.0, 999999.0),
]
_B = 8
_M = 100
_MPAD = 112
_NG = _MPAD // 16
_N = 5456
_NPAD = 5504
_WPB = 4
_PER_W = _NPAD // _WPB
_VECS = _PER_W // 16
_NF = 11
_BIG = 9999999.0
_NONE = 127


def _build_consts():
    xs, ys, los, his, rads = [], [], [], [], []
    for (h, w, s, lo, hi) in _LEVELS:
        col = np.arange(w, dtype=np.float32) * s + s // 2
        row = np.arange(h, dtype=np.float32) * s + s // 2
        xs.append(np.tile(col, h))
        ys.append(np.repeat(row, w))
        los.append(np.full(h * w, max(lo, 0.0), np.float32))
        his.append(np.full(h * w, hi, np.float32))
        rads.append(np.full(h * w, s * 1.5, np.float32))
    pad = _NPAD - _N
    x = np.concatenate(xs + [np.zeros(pad, np.float32)])
    y = np.concatenate(ys + [np.zeros(pad, np.float32)])
    lo = np.concatenate(los + [np.full(pad, 1e9, np.float32)])
    hi = np.concatenate(his + [np.full(pad, -1e9, np.float32)])
    rad = np.concatenate(rads + [np.zeros(pad, np.float32)])

    xv = x.reshape(-1, 16)
    yv = y.reshape(-1, 16)
    xa = np.repeat(xv.min(1), 16)
    xb = np.repeat(xv.max(1), 16)
    ya = np.repeat(yv.min(1), 16)
    yb = np.repeat(yv.max(1), 16)
    t1lo = (xa - rad - 1.0).astype(np.float32)
    t1hi = (xb + rad + 1.0).astype(np.float32)
    t2lo = (ya - rad - 1.0).astype(np.float32)
    t2hi = (yb + rad + 1.0).astype(np.float32)
    t1lo[_N:] = 1e30
    t1hi[_N:] = -1e30
    lom1 = (lo - 1.0).astype(np.float32)
    hip1 = (hi + 1.0).astype(np.float32)
    fields = np.stack([x, y, lo, hi, rad, t1lo, t1hi, t2lo, t2hi, lom1, hip1])
    packed = np.ascontiguousarray(
        fields.reshape(_NF, -1, 16).transpose(1, 0, 2)).reshape(-1)
    return packed


_LOCPACK = _build_consts()


def _sqrt16(x):
    i = lax.bitcast_convert_type(x, jnp.int32)
    i = 0x5F3759DF - (i >> 1)
    y = lax.bitcast_convert_type(i, jnp.float32)
    for _ in range(3):
        y = y * (1.5 - 0.5 * x * y * y)
    return x * y


def _shuf(vv, perm):
    return jnp.take_along_axis(vv, perm, axis=0)


def _hmin(vv, iota):
    for k in (1, 2, 4, 8):
        vv = jnp.minimum(vv, _shuf(vv, iota ^ k))
    return vv


def _hsum(vv, iota):
    for k in (1, 2, 4, 8):
        vv = vv + _shuf(vv, iota ^ k)
    return vv


def _sc_body(bx_hbm, cls_hbm, loc_hbm,
             cls_out, cnt_out, l_out, t_out, r_out, b_out,
             bxb, clsb, locv,
             ocls, ocnt, ol, ot, orr, ob, dsem):
    wid = lax.axis_index("s") * 2 + lax.axis_index("c")
    b = wid // _WPB
    q = wid % _WPB
    off = q * _PER_W

    c1 = pltpu.async_copy(bx_hbm.at[pl.ds(b * (_NG * 64), _NG * 64)], bxb, dsem)
    c2 = pltpu.async_copy(cls_hbm.at[pl.ds(b * _MPAD, _MPAD)], clsb, dsem)
    c3 = pltpu.async_copy(
        loc_hbm.at[pl.ds(q * (_VECS * _NF * 16), _VECS * _NF * 16)], locv, dsem)
    c1.wait()
    c2.wait()
    c3.wait()

    iota = lax.iota(jnp.int32, 16)

    gscan = []
    for g in range(_NG):
        gb = g * 64
        x1g = bxb[pl.ds(gb, 16)]
        y1g = bxb[pl.ds(gb + 16, 16)]
        x2g = bxb[pl.ds(gb + 32, 16)]
        y2g = bxb[pl.ds(gb + 48, 16)]
        w = x2g - x1g
        h = y2g - y1g
        gscan.append(((x1g + x2g) / 2, (y1g + y2g) / 2,
                      jnp.minimum(w, h) * 0.5, jnp.maximum(w, h) * 0.5))

    def one_vec(v):
        base = v * (_NF * 16)
        x = locv[pl.ds(base, 16)]
        y = locv[pl.ds(base + 16, 16)]
        lo = locv[pl.ds(base + 32, 16)]
        hi = locv[pl.ds(base + 48, 16)]
        rad = locv[pl.ds(base + 64, 16)]
        t1lo = locv[pl.ds(base + 80, 16)]
        t1hi = locv[pl.ds(base + 96, 16)]
        t2lo = locv[pl.ds(base + 112, 16)]
        t2hi = locv[pl.ds(base + 128, 16)]
        lom1 = locv[pl.ds(base + 144, 16)]
        hip1 = locv[pl.ds(base + 160, 16)]

        gvals = []
        tcount = jnp.zeros((16,), jnp.int32)
        for g, (cxg, cyg, mw, Mw) in enumerate(gscan):
            t = ((cxg > t1lo) & (cxg < t1hi) & (cyg > t2lo) & (cyg < t2hi)
                 & (mw > lom1) & (Mw < hip1))
            gvals.append(jnp.where(t, iota + g * 16, _NONE))
            tcount = tcount + jnp.where(t, 1, 0)
        gmin = gvals[0]
        for gv in gvals[1:]:
            gmin = jnp.minimum(gmin, gv)
        jm0 = _hmin(gmin, iota)
        cg = _hsum(tcount, iota)[0]

        def w_body(i, st):
            jm = st[0]
            gv = list(st[1:1 + _NG])
            ba, bl, bt, br, bb, bc = st[1 + _NG:]
            js = jm[0]
            gb = (js >> 4) * 64
            lane = jm & 15
            x1 = _shuf(bxb[pl.ds(gb, 16)], lane)
            y1 = _shuf(bxb[pl.ds(gb + 16, 16)], lane)
            x2 = _shuf(bxb[pl.ds(gb + 32, 16)], lane)
            y2 = _shuf(bxb[pl.ds(gb + 48, 16)], lane)
            cj = _shuf(clsb[pl.ds((js >> 4) * 16, 16)], lane)
            l = x - x1
            t_ = y - y1
            r = x2 - x
            bo = y2 - y
            area = (l + r) * (t_ + bo)
            omin = jnp.minimum(jnp.minimum(l, t_), jnp.minimum(r, bo))
            omax = jnp.maximum(jnp.maximum(l, t_), jnp.maximum(r, bo))
            cxs = (x1 + x2) / 2
            cys = (y1 + y2) / 2
            cmax = jnp.maximum(jnp.abs(x - cxs), jnp.abs(y - cys))
            mask = (omin > lo) & (omax <= hi) & (cmax < rad)
            take = mask & (area < ba)
            nb = (jnp.where(take, area, ba),
                  jnp.where(take, l, bl),
                  jnp.where(take, t_, bt),
                  jnp.where(take, r, br),
                  jnp.where(take, bo, bb),
                  jnp.where(take, cj, bc))
            gv = [jnp.where(g == jm, _NONE, g) for g in gv]
            gm = gv[0]
            for g in gv[1:]:
                gm = jnp.minimum(gm, g)
            return (_hmin(gm, iota),) + tuple(gv) + nb

        zero = jnp.zeros((16,), jnp.float32)
        init = ((jm0,) + tuple(gvals)
                + (jnp.full((16,), _BIG, jnp.float32), zero, zero, zero, zero,
                   jnp.zeros((16,), jnp.int32)))
        st = init
        ba, bl, bt, br, bb, bc = (x, y, lo, hi, rad,
                                  jnp.where(x > 0, 1, 0))

        pos = ba < _BIG
        lr_min = jnp.minimum(bl, br)
        lr_max = jnp.maximum(bl, br)
        tb_min = jnp.minimum(bt, bb)
        tb_max = jnp.maximum(bt, bb)
        ratio = lr_min * tb_min / (lr_max * tb_max + 1e-10)
        cnt = _sqrt16(jnp.where(pos, ratio, 1.0))
        neg1 = jnp.full((16,), -1.0, jnp.float32)
        bs = pl.ds(v * 16, 16)
        ocls[bs] = jnp.where(pos, bc, 0)
        ocnt[bs] = jnp.where(pos, cnt, neg1)
        ol[bs] = jnp.where(pos, bl, neg1)
        ot[bs] = jnp.where(pos, bt, neg1)
        orr[bs] = jnp.where(pos, br, neg1)
        ob[bs] = jnp.where(pos, bb, neg1)

    def vec_body(u, carry):
        one_vec(u * 2)
        one_vec(u * 2 + 1)
        return carry

    lax.fori_loop(0, _VECS // 2, vec_body, 0)

    oflat = b * _NPAD + off
    pltpu.sync_copy(ocls, cls_out.at[pl.ds(oflat, _PER_W)])
    pltpu.sync_copy(ocnt, cnt_out.at[pl.ds(oflat, _PER_W)])
    pltpu.sync_copy(ol, l_out.at[pl.ds(oflat, _PER_W)])
    pltpu.sync_copy(ot, t_out.at[pl.ds(oflat, _PER_W)])
    pltpu.sync_copy(orr, r_out.at[pl.ds(oflat, _PER_W)])
    pltpu.sync_copy(ob, b_out.at[pl.ds(oflat, _PER_W)])


@functools.cache
def _build_encode():
  f32 = jnp.float32
  i32 = jnp.int32
  return functools.partial(
    pl.kernel,
    mesh=plsc.VectorSubcoreMesh(core_axis_name="c", subcore_axis_name="s"),
    out_type=[
        jax.ShapeDtypeStruct((_B * _NPAD,), i32),
        jax.ShapeDtypeStruct((_B * _NPAD,), f32),
        jax.ShapeDtypeStruct((_B * _NPAD,), f32),
        jax.ShapeDtypeStruct((_B * _NPAD,), f32),
        jax.ShapeDtypeStruct((_B * _NPAD,), f32),
        jax.ShapeDtypeStruct((_B * _NPAD,), f32),
    ],
    scratch_types=[
        pltpu.VMEM((_NG * 64,), f32),
        pltpu.VMEM((_MPAD,), i32),
        pltpu.VMEM((_VECS * _NF * 16,), f32),
        pltpu.VMEM((_PER_W,), i32),
        pltpu.VMEM((_PER_W,), f32),
        pltpu.VMEM((_PER_W,), f32),
        pltpu.VMEM((_PER_W,), f32),
        pltpu.VMEM((_PER_W,), f32),
        pltpu.VMEM((_PER_W,), f32),
        pltpu.SemaphoreType.DMA,
    ],
  )(_sc_body)


def kernel(cls_p3, cnt_p3, reg_p3, cls_p4, cnt_p4, reg_p4, cls_p5, cnt_p5,
           reg_p5, cls_p6, cnt_p6, reg_p6, cls_p7, cnt_p7, reg_p7,
           gt_boxes, classes):
    del cls_p3, cnt_p3, reg_p3, cls_p4, cnt_p4, reg_p4, cls_p5, cnt_p5
    del reg_p5, cls_p6, cnt_p6, reg_p6, cls_p7, cnt_p7, reg_p7
    gt = gt_boxes.astype(jnp.float32)
    gtp = jnp.pad(gt, ((0, 0), (0, _MPAD - _M), (0, 0)), constant_values=1e9)
    bx = gtp.reshape(_B, _NG, 16, 4).transpose(0, 1, 3, 2).reshape(-1)
    clsc = jnp.pad(classes.astype(jnp.int32),
                   ((0, 0), (0, _MPAD - _M))).reshape(-1)
    cls_f, cnt_f, l_f, t_f, r_f, b_f = _build_encode()(
        bx, clsc, jnp.asarray(_LOCPACK))
    cls_f = cls_f.reshape(_B, _NPAD)
    cnt_f = cnt_f.reshape(_B, _NPAD)
    l_f = l_f.reshape(_B, _NPAD)
    t_f = t_f.reshape(_B, _NPAD)
    r_f = r_f.reshape(_B, _NPAD)
    b_f = b_f.reshape(_B, _NPAD)
    cls_t = cls_f[:, :_N, None]
    cnt_t = cnt_f[:, :_N, None]
    reg_t = jnp.stack([l_f, t_f, r_f, b_f], axis=-1)[:, :_N, :]
    return cls_t, cnt_t, reg_t

# --- scband reference (transcript-rebuilt; emitter-appended) ---
"""Pipeline reference for scband-encoder-20512763806039 (READ-ONLY COPY).

The authoritative reference and input builder live on the scoring server;
editing this copy changes nothing except your own understanding.
"""

import jax, jax.numpy as jnp
import numpy as np

LEVELS = [(64, 64, 8, -1.0, 64.0), (32, 32, 16, 64.0, 128.0), (16, 16, 32, 128.0, 256.0), (8, 8, 64, 256.0, 512.0), (4, 4, 128, 512.0, 999999.0)]


def _coords(h, w, stride):
    shifts_x = jnp.arange(0, w * stride, stride, dtype=jnp.float32)
    shifts_y = jnp.arange(0, h * stride, stride, dtype=jnp.float32)
    sy, sx = jnp.meshgrid(shifts_y, shifts_x, indexing='ij')
    x = sx.reshape(-1) + stride // 2
    y = sy.reshape(-1) + stride // 2
    return x, y


def _level_targets(h, w, stride, lo, hi, gt_boxes, classes):
    x, y = _coords(h, w, stride)
    l_off = x[None, :, None] - gt_boxes[..., 0][:, None, :]
    t_off = y[None, :, None] - gt_boxes[..., 1][:, None, :]
    r_off = gt_boxes[..., 2][:, None, :] - x[None, :, None]
    b_off = gt_boxes[..., 3][:, None, :] - y[None, :, None]
    ltrb = jnp.stack([l_off, t_off, r_off, b_off], axis=-1)
    areas = (ltrb[..., 0] + ltrb[..., 2]) * (ltrb[..., 1] + ltrb[..., 3])
    off_min = jnp.min(ltrb, axis=-1)
    off_max = jnp.max(ltrb, axis=-1)
    mask_in_gtboxes = off_min > 0
    mask_in_level = (off_min > lo) & (off_max <= hi)
    radius = stride * 1.5
    cx = (gt_boxes[..., 0] + gt_boxes[..., 2]) / 2
    cy = (gt_boxes[..., 1] + gt_boxes[..., 3]) / 2
    c_off = jnp.stack([x[None, :, None] - cx[:, None, :], y[None, :, None] - cy[:, None, :], cx[:, None, :] - x[None, :, None], cy[:, None, :] - y[None, :, None]], axis=-1)
    mask_center = jnp.max(c_off, axis=-1) < radius
    mask_pos = mask_in_gtboxes & mask_in_level & mask_center
    areas_m = jnp.where(mask_pos, areas, 9999999.0)
    idx = jnp.argmin(areas_m, axis=-1)
    reg_t = jnp.take_along_axis(ltrb, idx[:, :, None, None], axis=2)[:, :, 0, :]
    cls_b = jnp.broadcast_to(classes[:, None, :], areas.shape)
    cls_t = jnp.take_along_axis(cls_b, idx[:, :, None], axis=2)
    lr_min = jnp.minimum(reg_t[..., 0], reg_t[..., 2])
    lr_max = jnp.maximum(reg_t[..., 0], reg_t[..., 2])
    tb_min = jnp.minimum(reg_t[..., 1], reg_t[..., 3])
    tb_max = jnp.maximum(reg_t[..., 1], reg_t[..., 3])
    mask_pos_2 = jnp.sum(mask_pos.astype(jnp.int32), axis=-1) >= 1
    ratio = lr_min * tb_min / (lr_max * tb_max + 1e-10)
    cnt_t = jnp.sqrt(jnp.where(mask_pos_2, ratio, 1.0))[..., None]
    cls_t = jnp.where(mask_pos_2[..., None], cls_t, 0)
    reg_t = jnp.where(mask_pos_2[..., None], reg_t, -1.0)
    cnt_t = jnp.where(mask_pos_2[..., None], cnt_t, -1.0)
    return cls_t, cnt_t, reg_t


def setup_inputs(seed: int = 0):
    key = jax.random.key(seed)
    ks = jax.random.split(key, 18)
    d = {}
    names = ['p3', 'p4', 'p5', 'p6', 'p7']
    i = 0
    for n, (h, w, s, lo, hi) in zip(names, LEVELS):
        d['cls_' + n] = jax.random.normal(ks[i], (8, 80, h, w), dtype=jnp.float32); i += 1
        d['cnt_' + n] = jax.random.normal(ks[i], (8, 1, h, w), dtype=jnp.float32); i += 1
        d['reg_' + n] = jax.random.normal(ks[i], (8, 4, h, w), dtype=jnp.float32); i += 1
    xy1 = jax.random.uniform(ks[15], (8, 100, 2), minval=0.0, maxval=400.0)
    wh = jax.random.uniform(ks[16], (8, 100, 2), minval=16.0, maxval=112.0)
    d['gt_boxes'] = jnp.concatenate([xy1, xy1 + wh], axis=-1)
    d['classes'] = jax.random.randint(ks[17], (8, 100), 0, 80)
    return d


def reference(cls_p3, cnt_p3, reg_p3, cls_p4, cnt_p4, reg_p4, cls_p5, cnt_p5, reg_p5, cls_p6, cnt_p6, reg_p6, cls_p7, cnt_p7, reg_p7, gt_boxes, classes):
    # logits only contribute their spatial shapes, exactly as in the torch module
    cls_all, cnt_all, reg_all = [], [], []
    for (h, w, s, lo, hi) in LEVELS:
        c, ct, r = _level_targets(h, w, s, lo, hi, gt_boxes, classes)
        cls_all.append(c)
        cnt_all.append(ct)
        reg_all.append(r)
    # torch module returns (cls_cat, center_cat, reg_cat) in this order
    return (jnp.concatenate(cls_all, axis=1), jnp.concatenate(cnt_all, axis=1), jnp.concatenate(reg_all, axis=1))

if __name__ == "__main__":
    import jax
    _d = setup_inputs()
    print(jax.jit(kernel)(*tuple(_d.values())))

</pallas_src>

<mosaic_0001>
#map = affine_map<(d0, d1) -> (0)>
module attributes {stable_mosaic.version = 14 : i64} {
  func.func @_sc_body(%arg0: i32, %arg1: i32, %arg2: memref<3584xf32, #tpu.memory_space<hbm>>, %arg3: memref<896xi32, #tpu.memory_space<hbm>>, %arg4: memref<60544xf32, #tpu.memory_space<hbm>>, %arg5: memref<44032xi32, #tpu.memory_space<hbm>>, %arg6: memref<44032xf32, #tpu.memory_space<hbm>>, %arg7: memref<44032xf32, #tpu.memory_space<hbm>>, %arg8: memref<44032xf32, #tpu.memory_space<hbm>>, %arg9: memref<44032xf32, #tpu.memory_space<hbm>>, %arg10: memref<44032xf32, #tpu.memory_space<hbm>>, %arg11: memref<448xf32, #tpu.memory_space<vmem>>, %arg12: memref<112xi32, #tpu.memory_space<vmem>>, %arg13: memref<15136xf32, #tpu.memory_space<vmem>>, %arg14: memref<1376xi32, #tpu.memory_space<vmem>>, %arg15: memref<1376xf32, #tpu.memory_space<vmem>>, %arg16: memref<1376xf32, #tpu.memory_space<vmem>>, %arg17: memref<1376xf32, #tpu.memory_space<vmem>>, %arg18: memref<1376xf32, #tpu.memory_space<vmem>>, %arg19: memref<1376xf32, #tpu.memory_space<vmem>>, %arg20: memref<!tpu.dma_semaphore, #tpu.memory_space<semaphore_mem>>) attributes {dimension_semantics = [#tpu.dimension_semantics<core_parallel>, #tpu.dimension_semantics<subcore_parallel>], iteration_bounds = array<i64: 2, 16>, scalar_prefetch = 0 : i64, scratch_operands = 10 : i64, tpu.core_type = #tpu.core_type<sc_vector_subcore>, window_params = [{transform_indices = #map}, {transform_indices = #map}, {transform_indices = #map}, {transform_indices = #map}, {transform_indices = #map}, {transform_indices = #map}, {transform_indices = #map}, {transform_indices = #map}, {transform_indices = #map}]} {
    %mul3A = arith.constant 2 : i32
    %mul3A_0 = arith.muli %arg1, %mul3A : i32
    %add3A = arith.addi %mul3A_0, %arg0 : i32
    %jit3A = arith.constant 4 : i32
    %div3A = arith.divsi %add3A, %jit3A : i32
    %sign3A = arith.constant 0 : i32
    %sign3A_1 = arith.cmpi sgt, %add3A, %sign3A : i32
    %sign3A_2 = arith.extui %sign3A_1 : i1 to i32
    %sign3A_3 = arith.constant 0 : i32
    %sign3A_4 = arith.cmpi slt, %add3A, %sign3A_3 : i32
    %sign3A_5 = arith.extui %sign3A_4 : i1 to i32
    %sign3A_6 = arith.subi %sign3A_2, %sign3A_5 : i32
    %sign3A_7 = arith.constant 0 : i32
    %sign3A_8 = arith.cmpi sgt, %jit3A, %sign3A_7 : i32
    %sign3A_9 = arith.extui %sign3A_8 : i1 to i32
    %sign3A_10 = arith.constant 0 : i32
    %sign3A_11 = arith.cmpi slt, %jit3A, %sign3A_10 : i32
    %sign3A_12 = arith.extui %sign3A_11 : i1 to i32
    %sign3A_13 = arith.subi %sign3A_9, %sign3A_12 : i32
    %ne3A = arith.cmpi ne, %sign3A_6, %sign3A_13 : i32
    %rem3A = arith.remsi %add3A, %jit3A : i32
    %ne3A_14 = arith.constant 0 : i32
    %ne3A_15 = arith.cmpi ne, %rem3A, %ne3A_14 : i32
    %and3A = arith.andi %ne3A, %ne3A_15 : i1
    %sub3A = arith.constant 1 : i32
    %sub3A_16 = arith.subi %div3A, %sub3A : i32
    %select_n3A = arith.select %and3A, %sub3A_16, %div3A : i32
    %jit3A_17 = arith.constant 4 : i32
    %eq3A = arith.constant 0 : i32
    %eq3A_18 = arith.cmpi eq, %jit3A_17, %eq3A : i32
    %jit3A_19 = arith.constant 1 : i32
    %select_n3A_20 = arith.select %eq3A_18, %jit3A_19, %jit3A_17 : i32
    %rem3A_21 = arith.remsi %add3A, %select_n3A_20 : i32
    %ne3A_22 = arith.constant 0 : i32
    %ne3A_23 = arith.cmpi ne, %rem3A_21, %ne3A_22 : i32
    %lt3A = arith.constant 0 : i32
    %lt3A_24 = arith.cmpi slt, %rem3A_21, %lt3A : i32
    %lt3A_25 = arith.constant 0 : i32
    %lt3A_26 = arith.cmpi slt, %select_n3A_20, %lt3A_25 : i32
    %ne3A_27 = arith.xori %lt3A_24, %lt3A_26 : i1
    %and3A_28 = arith.andi %ne3A_27, %ne3A_23 : i1
    %add3A_29 = arith.addi %rem3A_21, %select_n3A_20 : i32
    %select_n3A_30 = arith.select %and3A_28, %add3A_29, %rem3A_21 : i32
    %mul3A_31 = arith.constant 1376 : i32
    %mul3A_32 = arith.muli %select_n3A_30, %mul3A_31 : i32
    %mul3A_33 = arith.constant 448 : i32
    %mul3A_34 = arith.muli %select_n3A, %mul3A_33 : i32
    %dma_start3A = tpu.memref_slice %arg2[%mul3A_34] : memref<3584xf32, #tpu.memory_space<hbm>> -> memref<448xf32, #tpu.memory_space<hbm>>
    %dma_start3A_35 = tpu.memref_slice %arg2[%mul3A_34] : memref<3584xf32, #tpu.memory_space<hbm>> -> memref<448xf32, #tpu.memory_space<hbm>>
    tpu.enqueue_dma source(%dma_start3A_35 : memref<448xf32, #tpu.memory_space<hbm>>) target(%arg11 : memref<448xf32, #tpu.memory_space<vmem>>) target_semaphore(%arg20 : memref<!tpu.dma_semaphore, #tpu.memory_space<semaphore_mem>>)
    %mul3A_36 = arith.constant 112 : i32
    %mul3A_37 = arith.muli %select_n3A, %mul3A_36 : i32
    %dma_start3A_38 = tpu.memref_slice %arg3[%mul3A_37] : memref<896xi32, #tpu.memory_space<hbm>> -> memref<112xi32, #tpu.memory_space<hbm>>
    %dma_start3A_39 = tpu.memref_slice %arg3[%mul3A_37] : memref<896xi32, #tpu.memory_space<hbm>> -> memref<112xi32, #tpu.memory_space<hbm>>
    tpu.enqueue_dma source(%dma_start3A_39 : memref<112xi32, #tpu.memory_space<hbm>>) target(%arg12 : memref<112xi32, #tpu.memory_space<vmem>>) target_semaphore(%arg20 : memref<!tpu.dma_semaphore, #tpu.memory_space<semaphore_mem>>)
    %mul3A_40 = arith.constant 15136 : i32
    %mul3A_41 = arith.muli %select_n3A_30, %mul3A_40 : i32
    %dma_start3A_42 = tpu.memref_slice %arg4[%mul3A_41] : memref<60544xf32, #tpu.memory_space<hbm>> -> memref<15136xf32, #tpu.memory_space<hbm>>
    %dma_start3A_43 = tpu.memref_slice %arg4[%mul3A_41] : memref<60544xf32, #tpu.memory_space<hbm>> -> memref<15136xf32, #tpu.memory_space<hbm>>
    tpu.enqueue_dma source(%dma_start3A_43 : memref<15136xf32, #tpu.memory_space<hbm>>) target(%arg13 : memref<15136xf32, #tpu.memory_space<vmem>>) target_semaphore(%arg20 : memref<!tpu.dma_semaphore, #tpu.memory_space<semaphore_mem>>)
    %dma_wait3A = tpu.memref_slice %arg2[%mul3A_34] : memref<3584xf32, #tpu.memory_space<hbm>> -> memref<448xf32, #tpu.memory_space<hbm>>
    %dma_wait3A_44 = tpu.memref_slice %arg2[%mul3A_34] : memref<3584xf32, #tpu.memory_space<hbm>> -> memref<448xf32, #tpu.memory_space<hbm>>
    tpu.wait_dma2 semaphore(%arg20 : memref<!tpu.dma_semaphore, #tpu.memory_space<semaphore_mem>>) src(%dma_wait3A_44 : memref<448xf32, #tpu.memory_space<hbm>>) dst(%arg11 : memref<448xf32, #tpu.memory_space<vmem>>)
    %dma_wait3A_45 = tpu.memref_slice %arg3[%mul3A_37] : memref<896xi32, #tpu.memory_space<hbm>> -> memref<112xi32, #tpu.memory_space<hbm>>
    %dma_wait3A_46 = tpu.memref_slice %arg3[%mul3A_37] : memref<896xi32, #tpu.memory_space<hbm>> -> memref<112xi32, #tpu.memory_space<hbm>>
    tpu.wait_dma2 semaphore(%arg20 : memref<!tpu.dma_semaphore, #tpu.memory_space<semaphore_mem>>) src(%dma_wait3A_46 : memref<112xi32, #tpu.memory_space<hbm>>) dst(%arg12 : memref<112xi32, #tpu.memory_space<vmem>>)
    %dma_wait3A_47 = tpu.memref_slice %arg4[%mul3A_41] : memref<60544xf32, #tpu.memory_space<hbm>> -> memref<15136xf32, #tpu.memory_space<hbm>>
    %dma_wait3A_48 = tpu.memref_slice %arg4[%mul3A_41] : memref<60544xf32, #tpu.memory_space<hbm>> -> memref<15136xf32, #tpu.memory_space<hbm>>
    tpu.wait_dma2 semaphore(%arg20 : memref<!tpu.dma_semaphore, #tpu.memory_space<semaphore_mem>>) src(%dma_wait3A_48 : memref<15136xf32, #tpu.memory_space<hbm>>) dst(%arg13 : memref<15136xf32, #tpu.memory_space<vmem>>)
    %iota3A = tpu.iota {dimensions = array<i32: 0>} : vector<16xi32>
    %get3A = arith.constant 0 : index
    %get3A_49 = tpu.vector_load %arg11[%get3A] {strides = array<i32>} : memref<448xf32, #tpu.memory_space<vmem>>, vector<16xf32>,
    %get3A_50 = vector.shape_cast %get3A_49 : vector<16xf32> to vector<16xf32>
    %get3A_51 = arith.constant 16 : index
    %get3A_52 = tpu.vector_load %arg11[%get3A_51] {strides = array<i32>} : memref<448xf32, #tpu.memory_space<vmem>>, vector<16xf32>,
    %get3A_53 = vector.shape_cast %get3A_52 : vector<16xf32> to vector<16xf32>
    %get3A_54 = arith.constant 32 : index
    %get3A_55 = tpu.vector_load %arg11[%get3A_54] {strides = array<i32>} : memref<448xf32, #tpu.memory_space<vmem>>, vector<16xf32>,
    %get3A_56 = vector.shape_cast %get3A_55 : vector<16xf32> to vector<16xf32>
    %get3A_57 = arith.constant 48 : index
    %get3A_58 = tpu.vector_load %arg11[%get3A_57] {strides = array<i32>} : memref<448xf32, #tpu.memory_space<vmem>>, vector<16xf32>,
    %get3A_59 = vector.shape_cast %get3A_58 : vector<16xf32> to vector<16xf32>
    %sub3A_60 = arith.subf %get3A_56, %get3A_50 : vector<16xf32>
    %sub3A_61 = arith.subf %get3A_59, %get3A_53 : vector<16xf32>
    %add3A_62 = arith.addf %get3A_50, %get3A_56 : vector<16xf32>
    %div3A_63 = arith.constant 2.000000e+00 : f32
    %div3A_64 = vector.broadcast %div3A_63 : f32 to vector<16xf32>
    %div3A_65 = arith.divf %add3A_62, %div3A_64 : vector<16xf32>
    %add3A_66 = arith.addf %get3A_53, %get3A_59 : vector<16xf32>
    %div3A_67 = arith.constant 2.000000e+00 : f32
    %div3A_68 = vector.broadcast %div3A_67 : f32 to vector<16xf32>
    %div3A_69 = arith.divf %add3A_66, %div3A_68 : vector<16xf32>
    %min3A = arith.minimumf %sub3A_60, %sub3A_61 : vector<16xf32>
    %mul3A_70 = arith.constant 5.000000e-01 : f32
    %mul3A_71 = vector.broadcast %mul3A_70 : f32 to vector<16xf32>
    %mul3A_72 = arith.mulf %min3A, %mul3A_71 : vector<16xf32>
    %max3A = arith.maximumf %sub3A_60, %sub3A_61 : vector<16xf32>
    %mul3A_73 = arith.constant 5.000000e-01 : f32
    %mul3A_74 = vector.broadcast %mul3A_73 : f32 to vector<16xf32>
    %mul3A_75 = arith.mulf %max3A, %mul3A_74 : vector<16xf32>
    %get3A_76 = arith.constant 64 : index
    %get3A_77 = tpu.vector_load %arg11[%get3A_76] {strides = array<i32>} : memref<448xf32, #tpu.memory_space<vmem>>, vector<16xf32>,
    %get3A_78 = vector.shape_cast %get3A_77 : vector<16xf32> to vector<16xf32>
    %get3A_79 = arith.constant 80 : index
    %get3A_80 = tpu.vector_load %arg11[%get3A_79] {strides = array<i32>} : memref<448xf32, #tpu.memory_space<vmem>>, vector<16xf32>,
    %get3A_81 = vector.shape_cast %get3A_80 : vector<16xf32> to vector<16xf32>
    %get3A_82 = arith.constant 96 : index
    %get3A_83 = tpu.vector_load %arg11[%get3A_82] {strides = array<i32>} : memref<448xf32, #tpu.memory_space<vmem>>, vector<16xf32>,
    %get3A_84 = vector.shape_cast %get3A_83 : vector<16xf32> to vector<16xf32>
    %get3A_85 = arith.constant 112 : index
    %get3A_86 = tpu.vector_load %arg11[%get3A_85] {strides = array<i32>} : memref<448xf32, #tpu.memory_space<vmem>>, vector<16xf32>,
    %get3A_87 = vector.shape_cast %get3A_86 : vector<16xf32> to vector<16xf32>
    %sub3A_88 = arith.subf %get3A_84, %get3A_78 : vector<16xf32>
    %sub3A_89 = arith.subf %get3A_87, %get3A_81 : vector<16xf32>
    %add3A_90 = arith.addf %get3A_78, %get3A_84 : vector<16xf32>
    %div3A_91 = arith.constant 2.000000e+00 : f32
    %div3A_92 = vector.broadcast %div3A_91 : f32 to vector<16xf32>
    %div3A_93 = arith.divf %add3A_90, %div3A_92 : vector<16xf32>
    %add3A_94 = arith.addf %get3A_81, %get3A_87 : vector<16xf32>
    %div3A_95 = arith.constant 2.000000e+00 : f32
    %div3A_96 = vector.broadcast %div3A_95 : f32 to vector<16xf32>
    %div3A_97 = arith.divf %add3A_94, %div3A_96 : vector<16xf32>
    %min3A_98 = arith.minimumf %sub3A_88, %sub3A_89 : vector<16xf32>
    %mul3A_99 = arith.constant 5.000000e-01 : f32
    %mul3A_100 = vector.broadcast %mul3A_99 : f32 to vector<16xf32>
    %mul3A_101 = arith.mulf %min3A_98, %mul3A_100 : vector<16xf32>
    %max3A_102 = arith.maximumf %sub3A_88, %sub3A_89 : vector<16xf32>
    %mul3A_103 = arith.constant 5.000000e-01 : f32
    %mul3A_104 = vector.broadcast %mul3A_103 : f32 to vector<16xf32>
    %mul3A_105 = arith.mulf %max3A_102, %mul3A_104 : vector<16xf32>
    %get3A_106 = arith.constant 128 : index
    %get3A_107 = tpu.vector_load %arg11[%get3A_106] {strides = array<i32>} : memref<448xf32, #tpu.memory_space<vmem>>, vector<16xf32>,
    %get3A_108 = vector.shape_cast %get3A_107 : vector<16xf32> to vector<16xf32>
    %get3A_109 = arith.constant 144 : index
    %get3A_110 = tpu.vector_load %arg11[%get3A_109] {strides = array<i32>} : memref<448xf32, #tpu.memory_space<vmem>>, vector<16xf32>,
    %get3A_111 = vector.shape_cast %get3A_110 : vector<16xf32> to vector<16xf32>
    %get3A_112 = arith.constant 160 : index
    %get3A_113 = tpu.vector_load %arg11[%get3A_112] {strides = array<i32>} : memref<448xf32, #tpu.memory_space<vmem>>, vector<16xf32>,
    %get3A_114 = vector.shape_cast %get3A_113 : vector<16xf32> to vector<16xf32>
    %get3A_115 = arith.constant 176 : index
    %get3A_116 = tpu.vector_load %arg11[%get3A_115] {strides = array<i32>} : memref<448xf32, #tpu.memory_space<vmem>>, vector<16xf32>,
    %get3A_117 = vector.shape_cast %get3A_116 : vector<16xf32> to vector<16xf32>
    %sub3A_118 = arith.subf %get3A_114, %get3A_108 : vector<16xf32>
    %sub3A_119 = arith.subf %get3A_117, %get3A_111 : vector<16xf32>
    %add3A_120 = arith.addf %get3A_108, %get3A_114 : vector<16xf32>
    %div3A_121 = arith.constant 2.000000e+00 : f32
    %div3A_122 = vector.broadcast %div3A_121 : f32 to vector<16xf32>
    %div3A_123 = arith.divf %add3A_120, %div3A_122 : vector<16xf32>
    %add3A_124 = arith.addf %get3A_111, %get3A_117 : vector<16xf32>
    %div3A_125 = arith.constant 2.000000e+00 : f32
    %div3A_126 = vector.broadcast %div3A_125 : f32 to vector<16xf32>
    %div3A_127 = arith.divf %add3A_124, %div3A_126 : vector<16xf32>
    %min3A_128 = arith.minimumf %sub3A_118, %sub3A_119 : vector<16xf32>
    %mul3A_129 = arith.constant 5.000000e-01 : f32
    %mul3A_130 = vector.broadcast %mul3A_129 : f32 to vector<16xf32>
    %mul3A_131 = arith.mulf %min3A_128, %mul3A_130 : vector<16xf32>
    %max3A_132 = arith.maximumf %sub3A_118, %sub3A_119 : vector<16xf32>
    %mul3A_133 = arith.constant 5.000000e-01 : f32
    %mul3A_134 = vector.broadcast %mul3A_133 : f32 to vector<16xf32>
    %mul3A_135 = arith.mulf %max3A_132, %mul3A_134 : vector<16xf32>
    %get3A_136 = arith.constant 192 : index
    %get3A_137 = tpu.vector_load %arg11[%get3A_136] {strides = array<i32>} : memref<448xf32, #tpu.memory_space<vmem>>, vector<16xf32>,
    %get3A_138 = vector.shape_cast %get3A_137 : vector<16xf32> to vector<16xf32>
    %get3A_139 = arith.constant 208 : index
    %get3A_140 = tpu.vector_load %arg11[%get3A_139] {strides = array<i32>} : memref<448xf32, #tpu.memory_space<vmem>>, vector<16xf32>,
    %get3A_141 = vector.shape_cast %get3A_140 : vector<16xf32> to vector<16xf32>
    %get3A_142 = arith.constant 224 : index
    %get3A_143 = tpu.vector_load %arg11[%get3A_142] {strides = array<i32>} : memref<448xf32, #tpu.memory_space<vmem>>, vector<16xf32>,
    %get3A_144 = vector.shape_cast %get3A_143 : vector<16xf32> to vector<16xf32>
    %get3A_145 = arith.constant 240 : index
    %get3A_146 = tpu.vector_load %arg11[%get3A_145] {strides = array<i32>} : memref<448xf32, #tpu.memory_space<vmem>>, vector<16xf32>,
    %get3A_147 = vector.shape_cast %get3A_146 : vector<16xf32> to vector<16xf32>
    %sub3A_148 = arith.subf %get3A_144, %get3A_138 : vector<16xf32>
    %sub3A_149 = arith.subf %get3A_147, %get3A_141 : vector<16xf32>
    %add3A_150 = arith.addf %get3A_138, %get3A_144 : vector<16xf32>
    %div3A_151 = arith.constant 2.000000e+00 : f32
    %div3A_152 = vector.broadcast %div3A_151 : f32 to vector<16xf32>
    %div3A_153 = arith.divf %add3A_150, %div3A_152 : vector<16xf32>
    %add3A_154 = arith.addf %get3A_141, %get3A_147 : vector<16xf32>
    %div3A_155 = arith.constant 2.000000e+00 : f32
    %div3A_156 = vector.broadcast %div3A_155 : f32 to vector<16xf32>
    %div3A_157 = arith.divf %add3A_154, %div3A_156 : vector<16xf32>
    %min3A_158 = arith.minimumf %sub3A_148, %sub3A_149 : vector<16xf32>
    %mul3A_159 = arith.constant 5.000000e-01 : f32
    %mul3A_160 = vector.broadcast %mul3A_159 : f32 to vector<16xf32>
    %mul3A_161 = arith.mulf %min3A_158, %mul3A_160 : vector<16xf32>
    %max3A_162 = arith.maximumf %sub3A_148, %sub3A_149 : vector<16xf32>
    %mul3A_163 = arith.constant 5.000000e-01 : f32
    %mul3A_164 = vector.broadcast %mul3A_163 : f32 to vector<16xf32>
    %mul3A_165 = arith.mulf %max3A_162, %mul3A_164 : vector<16xf32>
    %get3A_166 = arith.constant 256 : index
    %get3A_167 = tpu.vector_load %arg11[%get3A_166] {strides = array<i32>} : memref<448xf32, #tpu.memory_space<vmem>>, vector<16xf32>,
    %get3A_168 = vector.shape_cast %get3A_167 : vector<16xf32> to vector<16xf32>
    %get3A_169 = arith.constant 272 : index
    %get3A_170 = tpu.vector_load %arg11[%get3A_169] {strides = array<i32>} : memref<448xf32, #tpu.memory_space<vmem>>, vector<16xf32>,
    %get3A_171 = vector.shape_cast %get3A_170 : vector<16xf32> to vector<16xf32>
    %get3A_172 = arith.constant 288 : index
    %get3A_173 = tpu.vector_load %arg11[%get3A_172] {strides = array<i32>} : memref<448xf32, #tpu.memory_space<vmem>>, vector<16xf32>,
    %get3A_174 = vector.shape_cast %get3A_173 : vector<16xf32> to vector<16xf32>
    %get3A_175 = arith.constant 304 : index
    %get3A_176 = tpu.vector_load %arg11[%get3A_175] {strides = array<i32>} : memref<448xf32, #tpu.memory_space<vmem>>, vector<16xf32>,
    %get3A_177 = vector.shape_cast %get3A_176 : vector<16xf32> to vector<16xf32>
    %sub3A_178 = arith.subf %get3A_174, %get3A_168 : vector<16xf32>
    %sub3A_179 = arith.subf %get3A_177, %get3A_171 : vector<16xf32>
    %add3A_180 = arith.addf %get3A_168, %get3A_174 : vector<16xf32>
    %div3A_181 = arith.constant 2.000000e+00 : f32
    %div3A_182 = vector.broadcast %div3A_181 : f32 to vector<16xf32>
    %div3A_183 = arith.divf %add3A_180, %div3A_182 : vector<16xf32>
    %add3A_184 = arith.addf %get3A_171, %get3A_177 : vector<16xf32>
    %div3A_185 = arith.constant 2.000000e+00 : f32
    %div3A_186 = vector.broadcast %div3A_185 : f32 to vector<16xf32>
    %div3A_187 = arith.divf %add3A_184, %div3A_186 : vector<16xf32>
    %min3A_188 = arith.minimumf %sub3A_178, %sub3A_179 : vector<16xf32>
    %mul3A_189 = arith.constant 5.000000e-01 : f32
    %mul3A_190 = vector.broadcast %mul3A_189 : f32 to vector<16xf32>
    %mul3A_191 = arith.mulf %min3A_188, %mul3A_190 : vector<16xf32>
    %max3A_192 = arith.maximumf %sub3A_178, %sub3A_179 : vector<16xf32>
    %mul3A_193 = arith.constant 5.000000e-01 : f32
    %mul3A_194 = vector.broadcast %mul3A_193 : f32 to vector<16xf32>
    %mul3A_195 = arith.mulf %max3A_192, %mul3A_194 : vector<16xf32>
    %get3A_196 = arith.constant 320 : index
    %get3A_197 = tpu.vector_load %arg11[%get3A_196] {strides = array<i32>} : memref<448xf32, #tpu.memory_space<vmem>>, vector<16xf32>,
    %get3A_198 = vector.shape_cast %get3A_197 : vector<16xf32> to vector<16xf32>
    %get3A_199 = arith.constant 336 : index
    %get3A_200 = tpu.vector_load %arg11[%get3A_199] {strides = array<i32>} : memref<448xf32, #tpu.memory_space<vmem>>, vector<16xf32>,
    %get3A_201 = vector.shape_cast %get3A_200 : vector<16xf32> to vector<16xf32>
    %get3A_202 = arith.constant 352 : index
    %get3A_203 = tpu.vector_load %arg11[%get3A_202] {strides = array<i32>} : memref<448xf32, #tpu.memory_space<vmem>>, vector<16xf32>,
    %get3A_204 = vector.shape_cast %get3A_203 : vector<16xf32> to vector<16xf32>
    %get3A_205 = arith.constant 368 : index
    %get3A_206 = tpu.vector_load %arg11[%get3A_205] {strides = array<i32>} : memref<448xf32, #tpu.memory_space<vmem>>, vector<16xf32>,
    %get3A_207 = vector.shape_cast %get3A_206 : vector<16xf32> to vector<16xf32>
    %sub3A_208 = arith.subf %get3A_204, %get3A_198 : vector<16xf32>
    %sub3A_209 = arith.subf %get3A_207, %get3A_201 : vector<16xf32>
    %add3A_210 = arith.addf %get3A_198, %get3A_204 : vector<16xf32>
    %div3A_211 = arith.constant 2.000000e+00 : f32
    %div3A_212 = vector.broadcast %div3A_211 : f32 to vector<16xf32>
    %div3A_213 = arith.divf %add3A_210, %div3A_212 : vector<16xf32>
    %add3A_214 = arith.addf %get3A_201, %get3A_207 : vector<16xf32>
    %div3A_215 = arith.constant 2.000000e+00 : f32
    %div3A_216 = vector.broadcast %div3A_215 : f32 to vector<16xf32>
    %div3A_217 = arith.divf %add3A_214, %div3A_216 : vector<16xf32>
    %min3A_218 = arith.minimumf %sub3A_208, %sub3A_209 : vector<16xf32>
    %mul3A_219 = arith.constant 5.000000e-01 : f32
    %mul3A_220 = vector.broadcast %mul3A_219 : f32 to vector<16xf32>
    %mul3A_221 = arith.mulf %min3A_218, %mul3A_220 : vector<16xf32>
    %max3A_222 = arith.maximumf %sub3A_208, %sub3A_209 : vector<16xf32>
    %mul3A_223 = arith.constant 5.000000e-01 : f32
    %mul3A_224 = vector.broadcast %mul3A_223 : f32 to vector<16xf32>
    %mul3A_225 = arith.mulf %max3A_222, %mul3A_224 : vector<16xf32>
    %get3A_226 = arith.constant 384 : index
    %get3A_227 = tpu.vector_load %arg11[%get3A_226] {strides = array<i32>} : memref<448xf32, #tpu.memory_space<vmem>>, vector<16xf32>,
    %get3A_228 = vector.shape_cast %get3A_227 : vector<16xf32> to vector<16xf32>
    %get3A_229 = arith.constant 400 : index
    %get3A_230 = tpu.vector_load %arg11[%get3A_229] {strides = array<i32>} : memref<448xf32, #tpu.memory_space<vmem>>, vector<16xf32>,
    %get3A_231 = vector.shape_cast %get3A_230 : vector<16xf32> to vector<16xf32>
    %get3A_232 = arith.constant 416 : index
    %get3A_233 = tpu.vector_load %arg11[%get3A_232] {strides = array<i32>} : memref<448xf32, #tpu.memory_space<vmem>>, vector<16xf32>,
    %get3A_234 = vector.shape_cast %get3A_233 : vector<16xf32> to vector<16xf32>
    %get3A_235 = arith.constant 432 : index
    %get3A_236 = tpu.vector_load %arg11[%get3A_235] {strides = array<i32>} : memref<448xf32, #tpu.memory_space<vmem>>, vector<16xf32>,
    %get3A_237 = vector.shape_cast %get3A_236 : vector<16xf32> to vector<16xf32>
    %sub3A_238 = arith.subf %get3A_234, %get3A_228 : vector<16xf32>
    %sub3A_239 = arith.subf %get3A_237, %get3A_231 : vector<16xf32>
    %add3A_240 = arith.addf %get3A_228, %get3A_234 : vector<16xf32>
    %div3A_241 = arith.constant 2.000000e+00 : f32
    %div3A_242 = vector.broadcast %div3A_241 : f32 to vector<16xf32>
    %div3A_243 = arith.divf %add3A_240, %div3A_242 : vector<16xf32>
    %add3A_244 = arith.addf %get3A_231, %get3A_237 : vector<16xf32>
    %div3A_245 = arith.constant 2.000000e+00 : f32
    %div3A_246 = vector.broadcast %div3A_245 : f32 to vector<16xf32>
    %div3A_247 = arith.divf %add3A_244, %div3A_246 : vector<16xf32>
    %min3A_248 = arith.minimumf %sub3A_238, %sub3A_239 : vector<16xf32>
    %mul3A_249 = arith.constant 5.000000e-01 : f32
    %mul3A_250 = vector.broadcast %mul3A_249 : f32 to vector<16xf32>
    %mul3A_251 = arith.mulf %min3A_248, %mul3A_250 : vector<16xf32>
    %max3A_252 = arith.maximumf %sub3A_238, %sub3A_239 : vector<16xf32>
    %mul3A_253 = arith.constant 5.000000e-01 : f32
    %mul3A_254 = vector.broadcast %mul3A_253 : f32 to vector<16xf32>
    %mul3A_255 = arith.mulf %max3A_252, %mul3A_254 : vector<16xf32>
    %scan3A = arith.constant 0 : i32
    %scan3A_256 = arith.constant 0 : i32
    %scan3A_257 = arith.constant 43 : i32
    %scan3A_258 = arith.addi %scan3A_256, %scan3A_257 : i32
    %scan3A_259 = arith.constant 1 : i32
    scf.for %scan3A_264 = %scan3A_256 to %scan3A_258 step %scan3A_259  : i32 {
      %mul3A_265 = arith.constant 2 : i32
      %mul3A_266 = arith.muli %scan3A_264, %mul3A_265 : i32
      %mul3A_267 = arith.constant 176 : i32
      %mul3A_268 = arith.muli %mul3A_266, %mul3A_267 : i32
      %get3A_269 = arith.index_cast %mul3A_268 : i32 to index
      %get3A_270 = tpu.vector_load %arg13[%get3A_269] {strides = array<i32>} : memref<15136xf32, #tpu.memory_space<vmem>>, vector<16xf32>,
      %get3A_271 = vector.shape_cast %get3A_270 : vector<16xf32> to vector<16xf32>
      %add3A_272 = arith.constant 16 : i32
      %add3A_273 = arith.addi %mul3A_268, %add3A_272 : i32
      %get3A_274 = arith.index_cast %add3A_273 : i32 to index
      %get3A_275 = tpu.vector_load %arg13[%get3A_274] {strides = array<i32>} : memref<15136xf32, #tpu.memory_space<vmem>>, vector<16xf32>,
      %get3A_276 = vector.shape_cast %get3A_275 : vector<16xf32> to vector<16xf32>
      %add3A_277 = arith.constant 32 : i32
      %add3A_278 = arith.addi %mul3A_268, %add3A_277 : i32
      %get3A_279 = arith.index_cast %add3A_278 : i32 to index
      %get3A_280 = tpu.vector_load %arg13[%get3A_279] {strides = array<i32>} : memref<15136xf32, #tpu.memory_space<vmem>>, vector<16xf32>,
      %get3A_281 = vector.shape_cast %get3A_280 : vector<16xf32> to vector<16xf32>
      %add3A_282 = arith.constant 48 : i32
      %add3A_283 = arith.addi %mul3A_268, %add3A_282 : i32
      %get3A_284 = arith.index_cast %add3A_283 : i32 to index
      %get3A_285 = tpu.vector_load %arg13[%get3A_284] {strides = array<i32>} : memref<15136xf32, #tpu.memory_space<vmem>>, vector<16xf32>,
      %get3A_286 = vector.shape_cast %get3A_285 : vector<16xf32> to vector<16xf32>
      %add3A_287 = arith.constant 64 : i32
      %add3A_288 = arith.addi %mul3A_268, %add3A_287 : i32
      %get3A_289 = arith.index_cast %add3A_288 : i32 to index
      %get3A_290 = tpu.vector_load %arg13[%get3A_289] {strides = array<i32>} : memref<15136xf32, #tpu.memory_space<vmem>>, vector<16xf32>,
      %get3A_291 = vector.shape_cast %get3A_290 : vector<16xf32> to vector<16xf32>
      %add3A_292 = arith.constant 80 : i32
      %add3A_293 = arith.addi %mul3A_268, %add3A_292 : i32
      %get3A_294 = arith.index_cast %add3A_293 : i32 to index
      %get3A_295 = tpu.vector_load %arg13[%get3A_294] {strides = array<i32>} : memref<15136xf32, #tpu.memory_space<vmem>>, vector<16xf32>,
      %get3A_296 = vector.shape_cast %get3A_295 : vector<16xf32> to vector<16xf32>
      %add3A_297 = arith.constant 96 : i32
      %add3A_298 = arith.addi %mul3A_268, %add3A_297 : i32
      %get3A_299 = arith.index_cast %add3A_298 : i32 to index
      %get3A_300 = tpu.vector_load %arg13[%get3A_299] {strides = array<i32>} : memref<15136xf32, #tpu.memory_space<vmem>>, vector<16xf32>,
      %get3A_301 = vector.shape_cast %get3A_300 : vector<16xf32> to vector<16xf32>
      %add3A_302 = arith.constant 112 : i32
      %add3A_303 = arith.addi %mul3A_268, %add3A_302 : i32
      %get3A_304 = arith.index_cast %add3A_303 : i32 to index
      %get3A_305 = tpu.vector_load %arg13[%get3A_304] {strides = array<i32>} : memref<15136xf32, #tpu.memory_space<vmem>>, vector<16xf32>,
      %get3A_306 = vector.shape_cast %get3A_305 : vector<16xf32> to vector<16xf32>
      %add3A_307 = arith.constant 128 : i32
      %add3A_308 = arith.addi %mul3A_268, %add3A_307 : i32
      %get3A_309 = arith.index_cast %add3A_308 : i32 to index
      %get3A_310 = tpu.vector_load %arg13[%get3A_309] {strides = array<i32>} : memref<15136xf32, #tpu.memory_space<vmem>>, vector<16xf32>,
      %get3A_311 = vector.shape_cast %get3A_310 : vector<16xf32> to vector<16xf32>
      %add3A_312 = arith.constant 144 : i32
      %add3A_313 = arith.addi %mul3A_268, %add3A_312 : i32
      %get3A_314 = arith.index_cast %add3A_313 : i32 to index
      %get3A_315 = tpu.vector_load %arg13[%get3A_314] {strides = array<i32>} : memref<15136xf32, #tpu.memory_space<vmem>>, vector<16xf32>,
      %get3A_316 = vector.shape_cast %get3A_315 : vector<16xf32> to vector<16xf32>
      %add3A_317 = arith.constant 160 : i32
      %add3A_318 = arith.addi %mul3A_268, %add3A_317 : i32
      %get3A_319 = arith.index_cast %add3A_318 : i32 to index
      %get3A_320 = tpu.vector_load %arg13[%get3A_319] {strides = array<i32>} : memref<15136xf32, #tpu.memory_space<vmem>>, vector<16xf32>,
      %get3A_321 = vector.shape_cast %get3A_320 : vector<16xf32> to vector<16xf32>
      %broadcast_in_dim3A = arith.constant 0 : i32
      %broadcast_in_dim3A_322 = vector.broadcast %broadcast_in_dim3A : i32 to vector<16xi32>
      %gt3A = arith.cmpf ogt, %div3A_65, %get3A_296 : vector<16xf32>
      %lt3A_323 = arith.cmpf olt, %div3A_65, %get3A_301 : vector<16xf32>
      %and3A_324 = arith.andi %gt3A, %lt3A_323 : vector<16xi1>
      %gt3A_325 = arith.cmpf ogt, %div3A_69, %get3A_306 : vector<16xf32>
      %and3A_326 = arith.andi %and3A_324, %gt3A_325 : vector<16xi1>
      %lt3A_327 = arith.cmpf olt, %div3A_69, %get3A_311 : vector<16xf32>
      %and3A_328 = arith.andi %and3A_326, %lt3A_327 : vector<16xi1>
      %gt3A_329 = arith.cmpf ogt, %mul3A_72, %get3A_316 : vector<16xf32>
      %and3A_330 = arith.andi %and3A_328, %gt3A_329 : vector<16xi1>
      %lt3A_331 = arith.cmpf olt, %mul3A_75, %get3A_321 : vector<16xf32>
      %and3A_332 = arith.andi %and3A_330, %lt3A_331 : vector<16xi1>
      %add3A_333 = arith.constant 0 : i32
      %add3A_334 = vector.broadcast %add3A_333 : i32 to vector<16xi32>
      %add3A_335 = arith.addi %iota3A, %add3A_334 : vector<16xi32>
      %jit3A_336 = arith.constant 127 : i32
      %broadcast_in_dim3A_337 = vector.broadcast %jit3A_336 : i32 to vector<16xi32>
      %select_n3A_338 = arith.select %and3A_332, %add3A_335, %broadcast_in_dim3A_337 : vector<16xi1>, vector<16xi32>
      %jit3A_339 = arith.constant 1 : i32
      %jit3A_340 = arith.constant 0 : i32
      %broadcast_in_dim3A_341 = vector.broadcast %jit3A_339 : i32 to vector<16xi32>
      %broadcast_in_dim3A_342 = vector.broadcast %jit3A_340 : i32 to vector<16xi32>
      %select_n3A_343 = arith.select %and3A_332, %broadcast_in_dim3A_341, %broadcast_in_dim3A_342 : vector<16xi1>, vector<16xi32>
      %add3A_344 = arith.addi %broadcast_in_dim3A_322, %select_n3A_343 : vector<16xi32>
      %gt3A_345 = arith.cmpf ogt, %div3A_93, %get3A_296 : vector<16xf32>
      %lt3A_346 = arith.cmpf olt, %div3A_93, %get3A_301 : vector<16xf32>
      %and3A_347 = arith.andi %gt3A_345, %lt3A_346 : vector<16xi1>
      %gt3A_348 = arith.cmpf ogt, %div3A_97, %get3A_306 : vector<16xf32>
      %and3A_349 = arith.andi %and3A_347, %gt3A_348 : vector<16xi1>
      %lt3A_350 = arith.cmpf olt, %div3A_97, %get3A_311 : vector<16xf32>
      %and3A_351 = arith.andi %and3A_349, %lt3A_350 : vector<16xi1>
      %gt3A_352 = arith.cmpf ogt, %mul3A_101, %get3A_316 : vector<16xf32>
      %and3A_353 = arith.andi %and3A_351, %gt3A_352 : vector<16xi1>
      %lt3A_354 = arith.cmpf olt, %mul3A_105, %get3A_321 : vector<16xf32>
      %and3A_355 = arith.andi %and3A_353, %lt3A_354 : vector<16xi1>
      %add3A_356 = arith.constant 16 : i32
      %add3A_357 = vector.broadcast %add3A_356 : i32 to vector<16xi32>
      %add3A_358 = arith.addi %iota3A, %add3A_357 : vector<16xi32>
      %jit3A_359 = arith.constant 127 : i32
      %broadcast_in_dim3A_360 = vector.broadcast %jit3A_359 : i32 to vector<16xi32>
      %select_n3A_361 = arith.select %and3A_355, %add3A_358, %broadcast_in_dim3A_360 : vector<16xi1>, vector<16xi32>
      %jit3A_362 = arith.constant 1 : i32
      %jit3A_363 = arith.constant 0 : i32
      %broadcast_in_dim3A_364 = vector.broadcast %jit3A_362 : i32 to vector<16xi32>
      %broadcast_in_dim3A_365 = vector.broadcast %jit3A_363 : i32 to vector<16xi32>
      %select_n3A_366 = arith.select %and3A_355, %broadcast_in_dim3A_364, %broadcast_in_dim3A_365 : vector<16xi1>, vector<16xi32>
      %add3A_367 = arith.addi %add3A_344, %select_n3A_366 : vector<16xi32>
      %gt3A_368 = arith.cmpf ogt, %div3A_123, %get3A_296 : vector<16xf32>
      %lt3A_369 = arith.cmpf olt, %div3A_123, %get3A_301 : vector<16xf32>
      %and3A_370 = arith.andi %gt3A_368, %lt3A_369 : vector<16xi1>
      %gt3A_371 = arith.cmpf ogt, %div3A_127, %get3A_306 : vector<16xf32>
      %and3A_372 = arith.andi %and3A_370, %gt3A_371 : vector<16xi1>
      %lt3A_373 = arith.cmpf olt, %div3A_127, %get3A_311 : vector<16xf32>
      %and3A_374 = arith.andi %and3A_372, %lt3A_373 : vector<16xi1>
      %gt3A_375 = arith.cmpf ogt, %mul3A_131, %get3A_316 : vector<16xf32>
      %and3A_376 = arith.andi %and3A_374, %gt3A_375 : vector<16xi1>
      %lt3A_377 = arith.cmpf olt, %mul3A_135, %get3A_321 : vector<16xf32>
      %and3A_378 = arith.andi %and3A_376, %lt3A_377 : vector<16xi1>
      %add3A_379 = arith.constant 32 : i32
      %add3A_380 = vector.broadcast %add3A_379 : i32 to vector<16xi32>
      %add3A_381 = arith.addi %iota3A, %add3A_380 : vector<16xi32>
      %jit3A_382 = arith.constant 127 : i32
      %broadcast_in_dim3A_383 = vector.broadcast %jit3A_382 : i32 to vector<16xi32>
      %select_n3A_384 = arith.select %and3A_378, %add3A_381, %broadcast_in_dim3A_383 : vector<16xi1>, vector<16xi32>
      %jit3A_385 = arith.constant 1 : i32
      %jit3A_386 = arith.constant 0 : i32
      %broadcast_in_dim3A_387 = vector.broadcast %jit3A_385 : i32 to vector<16xi32>
      %broadcast_in_dim3A_388 = vector.broadcast %jit3A_386 : i32 to vector<16xi32>
      %select_n3A_389 = arith.select %and3A_378, %broadcast_in_dim3A_387, %broadcast_in_dim3A_388 : vector<16xi1>, vector<16xi32>
      %add3A_390 = arith.addi %add3A_367, %select_n3A_389 : vector<16xi32>
      %gt3A_391 = arith.cmpf ogt, %div3A_153, %get3A_296 : vector<16xf32>
      %lt3A_392 = arith.cmpf olt, %div3A_153, %get3A_301 : vector<16xf32>
      %and3A_393 = arith.andi %gt3A_391, %lt3A_392 : vector<16xi1>
      %gt3A_394 = arith.cmpf ogt, %div3A_157, %get3A_306 : vector<16xf32>
      %and3A_395 = arith.andi %and3A_393, %gt3A_394 : vector<16xi1>
      %lt3A_396 = arith.cmpf olt, %div3A_157, %get3A_311 : vector<16xf32>
      %and3A_397 = arith.andi %and3A_395, %lt3A_396 : vector<16xi1>
      %gt3A_398 = arith.cmpf ogt, %mul3A_161, %get3A_316 : vector<16xf32>
      %and3A_399 = arith.andi %and3A_397, %gt3A_398 : vector<16xi1>
      %lt3A_400 = arith.cmpf olt, %mul3A_165, %get3A_321 : vector<16xf32>
      %and3A_401 = arith.andi %and3A_399, %lt3A_400 : vector<16xi1>
      %add3A_402 = arith.constant 48 : i32
      %add3A_403 = vector.broadcast %add3A_402 : i32 to vector<16xi32>
      %add3A_404 = arith.addi %iota3A, %add3A_403 : vector<16xi32>
      %jit3A_405 = arith.constant 127 : i32
      %broadcast_in_dim3A_406 = vector.broadcast %jit3A_405 : i32 to vector<16xi32>
      %select_n3A_407 = arith.select %and3A_401, %add3A_404, %broadcast_in_dim3A_406 : vector<16xi1>, vector<16xi32>
      %jit3A_408 = arith.constant 1 : i32
      %jit3A_409 = arith.constant 0 : i32
      %broadcast_in_dim3A_410 = vector.broadcast %jit3A_408 : i32 to vector<16xi32>
      %broadcast_in_dim3A_411 = vector.broadcast %jit3A_409 : i32 to vector<16xi32>
      %select_n3A_412 = arith.select %and3A_401, %broadcast_in_dim3A_410, %broadcast_in_dim3A_411 : vector<16xi1>, vector<16xi32>
      %add3A_413 = arith.addi %add3A_390, %select_n3A_412 : vector<16xi32>
      %gt3A_414 = arith.cmpf ogt, %div3A_183, %get3A_296 : vector<16xf32>
      %lt3A_415 = arith.cmpf olt, %div3A_183, %get3A_301 : vector<16xf32>
      %and3A_416 = arith.andi %gt3A_414, %lt3A_415 : vector<16xi1>
      %gt3A_417 = arith.cmpf ogt, %div3A_187, %get3A_306 : vector<16xf32>
      %and3A_418 = arith.andi %and3A_416, %gt3A_417 : vector<16xi1>
      %lt3A_419 = arith.cmpf olt, %div3A_187, %get3A_311 : vector<16xf32>
      %and3A_420 = arith.andi %and3A_418, %lt3A_419 : vector<16xi1>
      %gt3A_421 = arith.cmpf ogt, %mul3A_191, %get3A_316 : vector<16xf32>
      %and3A_422 = arith.andi %and3A_420, %gt3A_421 : vector<16xi1>
      %lt3A_423 = arith.cmpf olt, %mul3A_195, %get3A_321 : vector<16xf32>
      %and3A_424 = arith.andi %and3A_422, %lt3A_423 : vector<16xi1>
      %add3A_425 = arith.constant 64 : i32
      %add3A_426 = vector.broadcast %add3A_425 : i32 to vector<16xi32>
      %add3A_427 = arith.addi %iota3A, %add3A_426 : vector<16xi32>
      %jit3A_428 = arith.constant 127 : i32
      %broadcast_in_dim3A_429 = vector.broadcast %jit3A_428 : i32 to vector<16xi32>
      %select_n3A_430 = arith.select %and3A_424, %add3A_427, %broadcast_in_dim3A_429 : vector<16xi1>, vector<16xi32>
      %jit3A_431 = arith.constant 1 : i32
      %jit3A_432 = arith.constant 0 : i32
      %broadcast_in_dim3A_433 = vector.broadcast %jit3A_431 : i32 to vector<16xi32>
      %broadcast_in_dim3A_434 = vector.broadcast %jit3A_432 : i32 to vector<16xi32>
      %select_n3A_435 = arith.select %and3A_424, %broadcast_in_dim3A_433, %broadcast_in_dim3A_434 : vector<16xi1>, vector<16xi32>
      %add3A_436 = arith.addi %add3A_413, %select_n3A_435 : vector<16xi32>
      %gt3A_437 = arith.cmpf ogt, %div3A_213, %get3A_296 : vector<16xf32>
      %lt3A_438 = arith.cmpf olt, %div3A_213, %get3A_301 : vector<16xf32>
      %and3A_439 = arith.andi %gt3A_437, %lt3A_438 : vector<16xi1>
      %gt3A_440 = arith.cmpf ogt, %div3A_217, %get3A_306 : vector<16xf32>
      %and3A_441 = arith.andi %and3A_439, %gt3A_440 : vector<16xi1>
      %lt3A_442 = arith.cmpf olt, %div3A_217, %get3A_311 : vector<16xf32>
      %and3A_443 = arith.andi %and3A_441, %lt3A_442 : vector<16xi1>
      %gt3A_444 = arith.cmpf ogt, %mul3A_221, %get3A_316 : vector<16xf32>
      %and3A_445 = arith.andi %and3A_443, %gt3A_444 : vector<16xi1>
      %lt3A_446 = arith.cmpf olt, %mul3A_225, %get3A_321 : vector<16xf32>
      %and3A_447 = arith.andi %and3A_445, %lt3A_446 : vector<16xi1>
      %add3A_448 = arith.constant 80 : i32
      %add3A_449 = vector.broadcast %add3A_448 : i32 to vector<16xi32>
      %add3A_450 = arith.addi %iota3A, %add3A_449 : vector<16xi32>
      %jit3A_451 = arith.constant 127 : i32
      %broadcast_in_dim3A_452 = vector.broadcast %jit3A_451 : i32 to vector<16xi32>
      %select_n3A_453 = arith.select %and3A_447, %add3A_450, %broadcast_in_dim3A_452 : vector<16xi1>, vector<16xi32>
      %jit3A_454 = arith.constant 1 : i32
      %jit3A_455 = arith.constant 0 : i32
      %broadcast_in_dim3A_456 = vector.broadcast %jit3A_454 : i32 to vector<16xi32>
      %broadcast_in_dim3A_457 = vector.broadcast %jit3A_455 : i32 to vector<16xi32>
      %select_n3A_458 = arith.select %and3A_447, %broadcast_in_dim3A_456, %broadcast_in_dim3A_457 : vector<16xi1>, vector<16xi32>
      %add3A_459 = arith.addi %add3A_436, %select_n3A_458 : vector<16xi32>
      %gt3A_460 = arith.cmpf ogt, %div3A_243, %get3A_296 : vector<16xf32>
      %lt3A_461 = arith.cmpf olt, %div3A_243, %get3A_301 : vector<16xf32>
      %and3A_462 = arith.andi %gt3A_460, %lt3A_461 : vector<16xi1>
      %gt3A_463 = arith.cmpf ogt, %div3A_247, %get3A_306 : vector<16xf32>
      %and3A_464 = arith.andi %and3A_462, %gt3A_463 : vector<16xi1>
      %lt3A_465 = arith.cmpf olt, %div3A_247, %get3A_311 : vector<16xf32>
      %and3A_466 = arith.andi %and3A_464, %lt3A_465 : vector<16xi1>
      %gt3A_467 = arith.cmpf ogt, %mul3A_251, %get3A_316 : vector<16xf32>
      %and3A_468 = arith.andi %and3A_466, %gt3A_467 : vector<16xi1>
      %lt3A_469 = arith.cmpf olt, %mul3A_255, %get3A_321 : vector<16xf32>
      %and3A_470 = arith.andi %and3A_468, %lt3A_469 : vector<16xi1>
      %add3A_471 = arith.constant 96 : i32
      %add3A_472 = vector.broadcast %add3A_471 : i32 to vector<16xi32>
      %add3A_473 = arith.addi %iota3A, %add3A_472 : vector<16xi32>
      %jit3A_474 = arith.constant 127 : i32
      %broadcast_in_dim3A_475 = vector.broadcast %jit3A_474 : i32 to vector<16xi32>
      %select_n3A_476 = arith.select %and3A_470, %add3A_473, %broadcast_in_dim3A_475 : vector<16xi1>, vector<16xi32>
      %jit3A_477 = arith.constant 1 : i32
      %jit3A_478 = arith.constant 0 : i32
      %broadcast_in_dim3A_479 = vector.broadcast %jit3A_477 : i32 to vector<16xi32>
      %broadcast_in_dim3A_480 = vector.broadcast %jit3A_478 : i32 to vector<16xi32>
      %select_n3A_481 = arith.select %and3A_470, %broadcast_in_dim3A_479, %broadcast_in_dim3A_480 : vector<16xi1>, vector<16xi32>
      %add3A_482 = arith.addi %add3A_459, %select_n3A_481 : vector<16xi32>
      %min3A_483 = arith.minsi %select_n3A_338, %select_n3A_361 : vector<16xi32>
      %min3A_484 = arith.minsi %min3A_483, %select_n3A_384 : vector<16xi32>
      %min3A_485 = arith.minsi %min3A_484, %select_n3A_407 : vector<16xi32>
      %min3A_486 = arith.minsi %min3A_485, %select_n3A_430 : vector<16xi32>
      %min3A_487 = arith.minsi %min3A_486, %select_n3A_453 : vector<16xi32>
      %min3A_488 = arith.minsi %min3A_487, %select_n3A_476 : vector<16xi32>
      %xor3A = arith.constant 1 : i32
      %xor3A_489 = vector.broadcast %xor3A : i32 to vector<16xi32>
      %xor3A_490 = arith.xori %iota3A, %xor3A_489 : vector<16xi32>
      %lt3A_491 = arith.constant 0 : i32
      %lt3A_492 = vector.broadcast %lt3A_491 : i32 to vector<16xi32>
      %lt3A_493 = arith.cmpi slt, %xor3A_490, %lt3A_492 : vector<16xi32>
      %add3A_494 = arith.constant 16 : i32
      %add3A_495 = vector.broadcast %add3A_494 : i32 to vector<16xi32>
      %add3A_496 = arith.addi %xor3A_490, %add3A_495 : vector<16xi32>
      %select_n3A_497 = arith.select %lt3A_493, %add3A_496, %xor3A_490 : vector<16xi1>, vector<16xi32>
      %reshape3A = vector.shape_cast %select_n3A_497 : vector<16xi32> to vector<16x1xi32>
      %gather3A = vector.shape_cast %reshape3A : vector<16x1xi32> to vector<16xi32>
      %gather3A_498 = tpu.dynamic_gather %min3A_488[%gather3A] in [0] : vector<16xi32>, vector<16xi32> -> vector<16xi32>
      %min3A_499 = arith.minsi %min3A_488, %gather3A_498 : vector<16xi32>
      %xor3A_500 = arith.constant 2 : i32
      %xor3A_501 = vector.broadcast %xor3A_500 : i32 to vector<16xi32>
      %xor3A_502 = arith.xori %iota3A, %xor3A_501 : vector<16xi32>
      %lt3A_503 = arith.constant 0 : i32
      %lt3A_504 = vector.broadcast %lt3A_503 : i32 to vector<16xi32>
      %lt3A_505 = arith.cmpi slt, %xor3A_502, %lt3A_504 : vector<16xi32>
      %add3A_506 = arith.constant 16 : i32
      %add3A_507 = vector.broadcast %add3A_506 : i32 to vector<16xi32>
      %add3A_508 = arith.addi %xor3A_502, %add3A_507 : vector<16xi32>
      %select_n3A_509 = arith.select %lt3A_505, %add3A_508, %xor3A_502 : vector<16xi1>, vector<16xi32>
      %reshape3A_510 = vector.shape_cast %select_n3A_509 : vector<16xi32> to vector<16x1xi32>
      %gather3A_511 = vector.shape_cast %reshape3A_510 : vector<16x1xi32> to vector<16xi32>
      %gather3A_512 = tpu.dynamic_gather %min3A_499[%gather3A_511] in [0] : vector<16xi32>, vector<16xi32> -> vector<16xi32>
      %min3A_513 = arith.minsi %min3A_499, %gather3A_512 : vector<16xi32>
      %xor3A_514 = arith.constant 4 : i32
      %xor3A_515 = vector.broadcast %xor3A_514 : i32 to vector<16xi32>
      %xor3A_516 = arith.xori %iota3A, %xor3A_515 : vector<16xi32>
      %lt3A_517 = arith.constant 0 : i32
      %lt3A_518 = vector.broadcast %lt3A_517 : i32 to vector<16xi32>
      %lt3A_519 = arith.cmpi slt, %xor3A_516, %lt3A_518 : vector<16xi32>
      %add3A_520 = arith.constant 16 : i32
      %add3A_521 = vector.broadcast %add3A_520 : i32 to vector<16xi32>
      %add3A_522 = arith.addi %xor3A_516, %add3A_521 : vector<16xi32>
      %select_n3A_523 = arith.select %lt3A_519, %add3A_522, %xor3A_516 : vector<16xi1>, vector<16xi32>
      %reshape3A_524 = vector.shape_cast %select_n3A_523 : vector<16xi32> to vector<16x1xi32>
      %gather3A_525 = vector.shape_cast %reshape3A_524 : vector<16x1xi32> to vector<16xi32>
      %gather3A_526 = tpu.dynamic_gather %min3A_513[%gather3A_525] in [0] : vector<16xi32>, vector<16xi32> -> vector<16xi32>
      %min3A_527 = arith.minsi %min3A_513, %gather3A_526 : vector<16xi32>
      %xor3A_528 = arith.constant 8 : i32
      %xor3A_529 = vector.broadcast %xor3A_528 : i32 to vector<16xi32>
      %xor3A_530 = arith.xori %iota3A, %xor3A_529 : vector<16xi32>
      %lt3A_531 = arith.constant 0 : i32
      %lt3A_532 = vector.broadcast %lt3A_531 : i32 to vector<16xi32>
      %lt3A_533 = arith.cmpi slt, %xor3A_530, %lt3A_532 : vector<16xi32>
      %add3A_534 = arith.constant 16 : i32
      %add3A_535 = vector.broadcast %add3A_534 : i32 to vector<16xi32>
      %add3A_536 = arith.addi %xor3A_530, %add3A_535 : vector<16xi32>
      %select_n3A_537 = arith.select %lt3A_533, %add3A_536, %xor3A_530 : vector<16xi1>, vector<16xi32>
      %reshape3A_538 = vector.shape_cast %select_n3A_537 : vector<16xi32> to vector<16x1xi32>
      %gather3A_539 = vector.shape_cast %reshape3A_538 : vector<16x1xi32> to vector<16xi32>
      %gather3A_540 = tpu.dynamic_gather %min3A_527[%gather3A_539] in [0] : vector<16xi32>, vector<16xi32> -> vector<16xi32>
      %min3A_541 = arith.minsi %min3A_527, %gather3A_540 : vector<16xi32>
      %xor3A_542 = arith.constant 1 : i32
      %xor3A_543 = vector.broadcast %xor3A_542 : i32 to vector<16xi32>
      %xor3A_544 = arith.xori %iota3A, %xor3A_543 : vector<16xi32>
      %lt3A_545 = arith.constant 0 : i32
      %lt3A_546 = vector.broadcast %lt3A_545 : i32 to vector<16xi32>
      %lt3A_547 = arith.cmpi slt, %xor3A_544, %lt3A_546 : vector<16xi32>
      %add3A_548 = arith.constant 16 : i32
      %add3A_549 = vector.broadcast %add3A_548 : i32 to vector<16xi32>
      %add3A_550 = arith.addi %xor3A_544, %add3A_549 : vector<16xi32>
      %select_n3A_551 = arith.select %lt3A_547, %add3A_550, %xor3A_544 : vector<16xi1>, vector<16xi32>
      %reshape3A_552 = vector.shape_cast %select_n3A_551 : vector<16xi32> to vector<16x1xi32>
      %gather3A_553 = vector.shape_cast %reshape3A_552 : vector<16x1xi32> to vector<16xi32>
      %gather3A_554 = tpu.dynamic_gather %add3A_482[%gather3A_553] in [0] : vector<16xi32>, vector<16xi32> -> vector<16xi32>
      %add3A_555 = arith.addi %add3A_482, %gather3A_554 : vector<16xi32>
      %xor3A_556 = arith.constant 2 : i32
      %xor3A_557 = vector.broadcast %xor3A_556 : i32 to vector<16xi32>
      %xor3A_558 = arith.xori %iota3A, %xor3A_557 : vector<16xi32>
      %lt3A_559 = arith.constant 0 : i32
      %lt3A_560 = vector.broadcast %lt3A_559 : i32 to vector<16xi32>
      %lt3A_561 = arith.cmpi slt, %xor3A_558, %lt3A_560 : vector<16xi32>
      %add3A_562 = arith.constant 16 : i32
      %add3A_563 = vector.broadcast %add3A_562 : i32 to vector<16xi32>
      %add3A_564 = arith.addi %xor3A_558, %add3A_563 : vector<16xi32>
      %select_n3A_565 = arith.select %lt3A_561, %add3A_564, %xor3A_558 : vector<16xi1>, vector<16xi32>
      %reshape3A_566 = vector.shape_cast %select_n3A_565 : vector<16xi32> to vector<16x1xi32>
      %gather3A_567 = vector.shape_cast %reshape3A_566 : vector<16x1xi32> to vector<16xi32>
      %gather3A_568 = tpu.dynamic_gather %add3A_555[%gather3A_567] in [0] : vector<16xi32>, vector<16xi32> -> vector<16xi32>
      %add3A_569 = arith.addi %add3A_555, %gather3A_568 : vector<16xi32>
      %xor3A_570 = arith.constant 4 : i32
      %xor3A_571 = vector.broadcast %xor3A_570 : i32 to vector<16xi32>
      %xor3A_572 = arith.xori %iota3A, %xor3A_571 : vector<16xi32>
      %lt3A_573 = arith.constant 0 : i32
      %lt3A_574 = vector.broadcast %lt3A_573 : i32 to vector<16xi32>
      %lt3A_575 = arith.cmpi slt, %xor3A_572, %lt3A_574 : vector<16xi32>
      %add3A_576 = arith.constant 16 : i32
      %add3A_577 = vector.broadcast %add3A_576 : i32 to vector<16xi32>
      %add3A_578 = arith.addi %xor3A_572, %add3A_577 : vector<16xi32>
      %select_n3A_579 = arith.select %lt3A_575, %add3A_578, %xor3A_572 : vector<16xi1>, vector<16xi32>
      %reshape3A_580 = vector.shape_cast %select_n3A_579 : vector<16xi32> to vector<16x1xi32>
      %gather3A_581 = vector.shape_cast %reshape3A_580 : vector<16x1xi32> to vector<16xi32>
      %gather3A_582 = tpu.dynamic_gather %add3A_569[%gather3A_581] in [0] : vector<16xi32>, vector<16xi32> -> vector<16xi32>
      %add3A_583 = arith.addi %add3A_569, %gather3A_582 : vector<16xi32>
      %xor3A_584 = arith.constant 8 : i32
      %xor3A_585 = vector.broadcast %xor3A_584 : i32 to vector<16xi32>
      %xor3A_586 = arith.xori %iota3A, %xor3A_585 : vector<16xi32>
      %lt3A_587 = arith.constant 0 : i32
      %lt3A_588 = vector.broadcast %lt3A_587 : i32 to vector<16xi32>
      %lt3A_589 = arith.cmpi slt, %xor3A_586, %lt3A_588 : vector<16xi32>
      %add3A_590 = arith.constant 16 : i32
      %add3A_591 = vector.broadcast %add3A_590 : i32 to vector<16xi32>
      %add3A_592 = arith.addi %xor3A_586, %add3A_591 : vector<16xi32>
      %select_n3A_593 = arith.select %lt3A_589, %add3A_592, %xor3A_586 : vector<16xi1>, vector<16xi32>
      %reshape3A_594 = vector.shape_cast %select_n3A_593 : vector<16xi32> to vector<16x1xi32>
      %gather3A_595 = vector.shape_cast %reshape3A_594 : vector<16x1xi32> to vector<16xi32>
      %gather3A_596 = tpu.dynamic_gather %add3A_583[%gather3A_595] in [0] : vector<16xi32>, vector<16xi32> -> vector<16xi32>
      %add3A_597 = arith.addi %add3A_583, %gather3A_596 : vector<16xi32>
      %slice3A = vector.extract_strided_slice %add3A_597 {offsets = [0], sizes = [1], strides = [1]} : vector<16xi32> to vector<1xi32>
      %squeeze3A = vector.extract %slice3A[0] : i32 from vector<1xi32>
      %broadcast_in_dim3A_598 = arith.constant 0.000000e+00 : f32
      %broadcast_in_dim3A_599 = vector.broadcast %broadcast_in_dim3A_598 : f32 to vector<16xf32>
      %broadcast_in_dim3A_600 = arith.constant 0x4B18967F : f32
      %broadcast_in_dim3A_601 = vector.broadcast %broadcast_in_dim3A_600 : f32 to vector<16xf32>
      %broadcast_in_dim3A_602 = arith.constant 0 : i32
      %broadcast_in_dim3A_603 = vector.broadcast %broadcast_in_dim3A_602 : i32 to vector<16xi32>
      %gt3A_604 = arith.constant 0.000000e+00 : f32
      %gt3A_605 = vector.broadcast %gt3A_604 : f32 to vector<16xf32>
      %gt3A_606 = arith.cmpf ogt, %get3A_271, %gt3A_605 : vector<16xf32>
      %jit3A_607 = arith.constant 1 : i32
      %jit3A_608 = arith.constant 0 : i32
      %broadcast_in_dim3A_609 = vector.broadcast %jit3A_607 : i32 to vector<16xi32>
      %broadcast_in_dim3A_610 = vector.broadcast %jit3A_608 : i32 to vector<16xi32>
      %select_n3A_611 = arith.select %gt3A_606, %broadcast_in_dim3A_609, %broadcast_in_dim3A_610 : vector<16xi1>, vector<16xi32>
      %lt3A_612 = arith.constant 0x4B18967F : f32
      %lt3A_613 = vector.broadcast %lt3A_612 : f32 to vector<16xf32>
      %lt3A_614 = arith.cmpf olt, %get3A_271, %lt3A_613 : vector<16xf32>
      %min3A_615 = arith.minimumf %get3A_276, %get3A_286 : vector<16xf32>
      %max3A_616 = arith.maximumf %get3A_276, %get3A_286 : vector<16xf32>
      %min3A_617 = arith.minimumf %get3A_281, %get3A_291 : vector<16xf32>
      %max3A_618 = arith.maximumf %get3A_281, %get3A_291 : vector<16xf32>
      %mul3A_619 = arith.mulf %min3A_615, %min3A_617 : vector<16xf32>
      %mul3A_620 = arith.mulf %max3A_616, %max3A_618 : vector<16xf32>
      %add3A_621 = arith.constant 1.000000e-10 : f32
      %add3A_622 = vector.broadcast %add3A_621 : f32 to vector<16xf32>
      %add3A_623 = arith.addf %mul3A_620, %add3A_622 : vector<16xf32>
      %div3A_624 = arith.divf %mul3A_619, %add3A_623 : vector<16xf32>
      %jit3A_625 = arith.constant 1.000000e+00 : f32
      %broadcast_in_dim3A_626 = vector.broadcast %jit3A_625 : f32 to vector<16xf32>
      %select_n3A_627 = arith.select %lt3A_614, %div3A_624, %broadcast_in_dim3A_626 : vector<16xi1>, vector<16xf32>
      %bitcast_convert_type3A = tpu.bitcast %select_n3A_627 : vector<16xf32> -> vector<16xi32>
      %shift_right_arithmetic3A = arith.constant 1 : i32
      %shift_right_arithmetic3A_628 = vector.broadcast %shift_right_arithmetic3A : i32 to vector<16xi32>
      %shift_right_arithmetic3A_629 = arith.shrsi %bitcast_convert_type3A, %shift_right_arithmetic3A_628 : vector<16xi32>
      %sub3A_630 = arith.constant 1597463007 : i32
      %sub3A_631 = vector.broadcast %sub3A_630 : i32 to vector<16xi32>
      %sub3A_632 = arith.subi %sub3A_631, %shift_right_arithmetic3A_629 : vector<16xi32>
      %bitcast_convert_type3A_633 = tpu.bitcast %sub3A_632 : vector<16xi32> -> vector<16xf32>
      %mul3A_634 = arith.constant 5.000000e-01 : f32
      %mul3A_635 = vector.broadcast %mul3A_634 : f32 to vector<16xf32>
      %mul3A_636 = arith.mulf %mul3A_635, %select_n3A_627 : vector<16xf32>
      %mul3A_637 = arith.mulf %mul3A_636, %bitcast_convert_type3A_633 : vector<16xf32>
      %mul3A_638 = arith.mulf %mul3A_637, %bitcast_convert_type3A_633 : vector<16xf32>
      %sub3A_639 = arith.constant 1.500000e+00 : f32
      %sub3A_640 = vector.broadcast %sub3A_639 : f32 to vector<16xf32>
      %sub3A_641 = arith.subf %sub3A_640, %mul3A_638 : vector<16xf32>
      %mul3A_642 = arith.mulf %bitcast_convert_type3A_633, %sub3A_641 : vector<16xf32>
      %mul3A_643 = arith.constant 5.000000e-01 : f32
      %mul3A_644 = vector.broadcast %mul3A_643 : f32 to vector<16xf32>
      %mul3A_645 = arith.mulf %mul3A_644, %select_n3A_627 : vector<16xf32>
      %mul3A_646 = arith.mulf %mul3A_645, %mul3A_642 : vector<16xf32>
      %mul3A_647 = arith.mulf %mul3A_646, %mul3A_642 : vector<16xf32>
      %sub3A_648 = arith.constant 1.500000e+00 : f32
      %sub3A_649 = vector.broadcast %sub3A_648 : f32 to vector<16xf32>
      %sub3A_650 = arith.subf %sub3A_649, %mul3A_647 : vector<16xf32>
      %mul3A_651 = arith.mulf %mul3A_642, %sub3A_650 : vector<16xf32>
      %mul3A_652 = arith.constant 5.000000e-01 : f32
      %mul3A_653 = vector.broadcast %mul3A_652 : f32 to vector<16xf32>
      %mul3A_654 = arith.mulf %mul3A_653, %select_n3A_627 : vector<16xf32>
      %mul3A_655 = arith.mulf %mul3A_654, %mul3A_651 : vector<16xf32>
      %mul3A_656 = arith.mulf %mul3A_655, %mul3A_651 : vector<16xf32>
      %sub3A_657 = arith.constant 1.500000e+00 : f32
      %sub3A_658 = vector.broadcast %sub3A_657 : f32 to vector<16xf32>
      %sub3A_659 = arith.subf %sub3A_658, %mul3A_656 : vector<16xf32>
      %mul3A_660 = arith.mulf %mul3A_651, %sub3A_659 : vector<16xf32>
      %mul3A_661 = arith.mulf %select_n3A_627, %mul3A_660 : vector<16xf32>
      %broadcast_in_dim3A_662 = arith.constant -1.000000e+00 : f32
      %broadcast_in_dim3A_663 = vector.broadcast %broadcast_in_dim3A_662 : f32 to vector<16xf32>
      %mul3A_664 = arith.constant 16 : i32
      %mul3A_665 = arith.muli %mul3A_266, %mul3A_664 : i32
      %jit3A_666 = arith.constant 0 : i32
      %broadcast_in_dim3A_667 = vector.broadcast %jit3A_666 : i32 to vector<16xi32>
      %select_n3A_668 = arith.select %lt3A_614, %select_n3A_611, %broadcast_in_dim3A_667 : vector<16xi1>, vector<16xi32>
      %swap3A = arith.index_cast %mul3A_665 : i32 to index
      %swap3A_669 = tpu.vector_load %arg14[%swap3A] {strides = array<i32>} : memref<1376xi32, #tpu.memory_space<vmem>>, vector<16xi32>,
      %swap3A_670 = vector.shape_cast %swap3A_669 : vector<16xi32> to vector<16xi32>
      %swap3A_671 = vector.shape_cast %select_n3A_668 : vector<16xi32> to vector<16xi32>
      tpu.vector_store %arg14[%swap3A], %swap3A_671 {strides = array<i32>} : memref<1376xi32, #tpu.memory_space<vmem>>, vector<16xi32>,
      %select_n3A_672 = arith.select %lt3A_614, %mul3A_661, %broadcast_in_dim3A_663 : vector<16xi1>, vector<16xf32>
      %swap3A_673 = arith.index_cast %mul3A_665 : i32 to index
      %swap3A_674 = tpu.vector_load %arg15[%swap3A_673] {strides = array<i32>} : memref<1376xf32, #tpu.memory_space<vmem>>, vector<16xf32>,
      %swap3A_675 = vector.shape_cast %swap3A_674 : vector<16xf32> to vector<16xf32>
      %swap3A_676 = vector.shape_cast %select_n3A_672 : vector<16xf32> to vector<16xf32>
      tpu.vector_store %arg15[%swap3A_673], %swap3A_676 {strides = array<i32>} : memref<1376xf32, #tpu.memory_space<vmem>>, vector<16xf32>,
      %select_n3A_677 = arith.select %lt3A_614, %get3A_276, %broadcast_in_dim3A_663 : vector<16xi1>, vector<16xf32>
      %swap3A_678 = arith.index_cast %mul3A_665 : i32 to index
      %swap3A_679 = tpu.vector_load %arg16[%swap3A_678] {strides = array<i32>} : memref<1376xf32, #tpu.memory_space<vmem>>, vector<16xf32>,
      %swap3A_680 = vector.shape_cast %swap3A_679 : vector<16xf32> to vector<16xf32>
      %swap3A_681 = vector.shape_cast %select_n3A_677 : vector<16xf32> to vector<16xf32>
      tpu.vector_store %arg16[%swap3A_678], %swap3A_681 {strides = array<i32>} : memref<1376xf32, #tpu.memory_space<vmem>>, vector<16xf32>,
      %select_n3A_682 = arith.select %lt3A_614, %get3A_281, %broadcast_in_dim3A_663 : vector<16xi1>, vector<16xf32>
      %swap3A_683 = arith.index_cast %mul3A_665 : i32 to index
      %swap3A_684 = tpu.vector_load %arg17[%swap3A_683] {strides = array<i32>} : memref<1376xf32, #tpu.memory_space<vmem>>, vector<16xf32>,
      %swap3A_685 = vector.shape_cast %swap3A_684 : vector<16xf32> to vector<16xf32>
      %swap3A_686 = vector.shape_cast %select_n3A_682 : vector<16xf32> to vector<16xf32>
      tpu.vector_store %arg17[%swap3A_683], %swap3A_686 {strides = array<i32>} : memref<1376xf32, #tpu.memory_space<vmem>>, vector<16xf32>,
      %select_n3A_687 = arith.select %lt3A_614, %get3A_286, %broadcast_in_dim3A_663 : vector<16xi1>, vector<16xf32>
      %swap3A_688 = arith.index_cast %mul3A_665 : i32 to index
      %swap3A_689 = tpu.vector_load %arg18[%swap3A_688] {strides = array<i32>} : memref<1376xf32, #tpu.memory_space<vmem>>, vector<16xf32>,
      %swap3A_690 = vector.shape_cast %swap3A_689 : vector<16xf32> to vector<16xf32>
      %swap3A_691 = vector.shape_cast %select_n3A_687 : vector<16xf32> to vector<16xf32>
      tpu.vector_store %arg18[%swap3A_688], %swap3A_691 {strides = array<i32>} : memref<1376xf32, #tpu.memory_space<vmem>>, vector<16xf32>,
      %select_n3A_692 = arith.select %lt3A_614, %get3A_291, %broadcast_in_dim3A_663 : vector<16xi1>, vector<16xf32>
      %swap3A_693 = arith.index_cast %mul3A_665 : i32 to index
      %swap3A_694 = tpu.vector_load %arg19[%swap3A_693] {strides = array<i32>} : memref<1376xf32, #tpu.memory_space<vmem>>, vector<16xf32>,
      %swap3A_695 = vector.shape_cast %swap3A_694 : vector<16xf32> to vector<16xf32>
      %swap3A_696 = vector.shape_cast %select_n3A_692 : vector<16xf32> to vector<16xf32>
      tpu.vector_store %arg19[%swap3A_693], %swap3A_696 {strides = array<i32>} : memref<1376xf32, #tpu.memory_space<vmem>>, vector<16xf32>,
      %mul3A_697 = arith.constant 2 : i32
      %mul3A_698 = arith.muli %scan3A_264, %mul3A_697 : i32
      %add3A_699 = arith.constant 1 : i32
      %add3A_700 = arith.addi %mul3A_698, %add3A_699 : i32
      %mul3A_701 = arith.constant 176 : i32
      %mul3A_702 = arith.muli %add3A_700, %mul3A_701 : i32
      %get3A_703 = arith.index_cast %mul3A_702 : i32 to index
      %get3A_704 = tpu.vector_load %arg13[%get3A_703] {strides = array<i32>} : memref<15136xf32, #tpu.memory_space<vmem>>, vector<16xf32>,
      %get3A_705 = vector.shape_cast %get3A_704 : vector<16xf32> to vector<16xf32>
      %add3A_706 = arith.constant 16 : i32
      %add3A_707 = arith.addi %mul3A_702, %add3A_706 : i32
      %get3A_708 = arith.index_cast %add3A_707 : i32 to index
      %get3A_709 = tpu.vector_load %arg13[%get3A_708] {strides = array<i32>} : memref<15136xf32, #tpu.memory_space<vmem>>, vector<16xf32>,
      %get3A_710 = vector.shape_cast %get3A_709 : vector<16xf32> to vector<16xf32>
      %add3A_711 = arith.constant 32 : i32
      %add3A_712 = arith.addi %mul3A_702, %add3A_711 : i32
      %get3A_713 = arith.index_cast %add3A_712 : i32 to index
      %get3A_714 = tpu.vector_load %arg13[%get3A_713] {strides = array<i32>} : memref<15136xf32, #tpu.memory_space<vmem>>, vector<16xf32>,
      %get3A_715 = vector.shape_cast %get3A_714 : vector<16xf32> to vector<16xf32>
      %add3A_716 = arith.constant 48 : i32
      %add3A_717 = arith.addi %mul3A_702, %add3A_716 : i32
      %get3A_718 = arith.index_cast %add3A_717 : i32 to index
      %get3A_719 = tpu.vector_load %arg13[%get3A_718] {strides = array<i32>} : memref<15136xf32, #tpu.memory_space<vmem>>, vector<16xf32>,
      %get3A_720 = vector.shape_cast %get3A_719 : vector<16xf32> to vector<16xf32>
      %add3A_721 = arith.constant 64 : i32
      %add3A_722 = arith.addi %mul3A_702, %add3A_721 : i32
      %get3A_723 = arith.index_cast %add3A_722 : i32 to index
      %get3A_724 = tpu.vector_load %arg13[%get3A_723] {strides = array<i32>} : memref<15136xf32, #tpu.memory_space<vmem>>, vector<16xf32>,
      %get3A_725 = vector.shape_cast %get3A_724 : vector<16xf32> to vector<16xf32>
      %add3A_726 = arith.constant 80 : i32
      %add3A_727 = arith.addi %mul3A_702, %add3A_726 : i32
      %get3A_728 = arith.index_cast %add3A_727 : i32 to index
      %get3A_729 = tpu.vector_load %arg13[%get3A_728] {strides = array<i32>} : memref<15136xf32, #tpu.memory_space<vmem>>, vector<16xf32>,
      %get3A_730 = vector.shape_cast %get3A_729 : vector<16xf32> to vector<16xf32>
      %add3A_731 = arith.constant 96 : i32
      %add3A_732 = arith.addi %mul3A_702, %add3A_731 : i32
      %get3A_733 = arith.index_cast %add3A_732 : i32 to index
      %get3A_734 = tpu.vector_load %arg13[%get3A_733] {strides = array<i32>} : memref<15136xf32, #tpu.memory_space<vmem>>, vector<16xf32>,
      %get3A_735 = vector.shape_cast %get3A_734 : vector<16xf32> to vector<16xf32>
      %add3A_736 = arith.constant 112 : i32
      %add3A_737 = arith.addi %mul3A_702, %add3A_736 : i32
      %get3A_738 = arith.index_cast %add3A_737 : i32 to index
      %get3A_739 = tpu.vector_load %arg13[%get3A_738] {strides = array<i32>} : memref<15136xf32, #tpu.memory_space<vmem>>, vector<16xf32>,
      %get3A_740 = vector.shape_cast %get3A_739 : vector<16xf32> to vector<16xf32>
      %add3A_741 = arith.constant 128 : i32
      %add3A_742 = arith.addi %mul3A_702, %add3A_741 : i32
      %get3A_743 = arith.index_cast %add3A_742 : i32 to index
      %get3A_744 = tpu.vector_load %arg13[%get3A_743] {strides = array<i32>} : memref<15136xf32, #tpu.memory_space<vmem>>, vector<16xf32>,
      %get3A_745 = vector.shape_cast %get3A_744 : vector<16xf32> to vector<16xf32>
      %add3A_746 = arith.constant 144 : i32
      %add3A_747 = arith.addi %mul3A_702, %add3A_746 : i32
      %get3A_748 = arith.index_cast %add3A_747 : i32 to index
      %get3A_749 = tpu.vector_load %arg13[%get3A_748] {strides = array<i32>} : memref<15136xf32, #tpu.memory_space<vmem>>, vector<16xf32>,
      %get3A_750 = vector.shape_cast %get3A_749 : vector<16xf32> to vector<16xf32>
      %add3A_751 = arith.constant 160 : i32
      %add3A_752 = arith.addi %mul3A_702, %add3A_751 : i32
      %get3A_753 = arith.index_cast %add3A_752 : i32 to index
      %get3A_754 = tpu.vector_load %arg13[%get3A_753] {strides = array<i32>} : memref<15136xf32, #tpu.memory_space<vmem>>, vector<16xf32>,
      %get3A_755 = vector.shape_cast %get3A_754 : vector<16xf32> to vector<16xf32>
      %broadcast_in_dim3A_756 = arith.constant 0 : i32
      %broadcast_in_dim3A_757 = vector.broadcast %broadcast_in_dim3A_756 : i32 to vector<16xi32>
      %gt3A_758 = arith.cmpf ogt, %div3A_65, %get3A_730 : vector<16xf32>
      %lt3A_759 = arith.cmpf olt, %div3A_65, %get3A_735 : vector<16xf32>
      %and3A_760 = arith.andi %gt3A_758, %lt3A_759 : vector<16xi1>
      %gt3A_761 = arith.cmpf ogt, %div3A_69, %get3A_740 : vector<16xf32>
      %and3A_762 = arith.andi %and3A_760, %gt3A_761 : vector<16xi1>
      %lt3A_763 = arith.cmpf olt, %div3A_69, %get3A_745 : vector<16xf32>
      %and3A_764 = arith.andi %and3A_762, %lt3A_763 : vector<16xi1>
      %gt3A_765 = arith.cmpf ogt, %mul3A_72, %get3A_750 : vector<16xf32>
      %and3A_766 = arith.andi %and3A_764, %gt3A_765 : vector<16xi1>
      %lt3A_767 = arith.cmpf olt, %mul3A_75, %get3A_755 : vector<16xf32>
      %and3A_768 = arith.andi %and3A_766, %lt3A_767 : vector<16xi1>
      %add3A_769 = arith.constant 0 : i32
      %add3A_770 = vector.broadcast %add3A_769 : i32 to vector<16xi32>
      %add3A_771 = arith.addi %iota3A, %add3A_770 : vector<16xi32>
      %jit3A_772 = arith.constant 127 : i32
      %broadcast_in_dim3A_773 = vector.broadcast %jit3A_772 : i32 to vector<16xi32>
      %select_n3A_774 = arith.select %and3A_768, %add3A_771, %broadcast_in_dim3A_773 : vector<16xi1>, vector<16xi32>
      %jit3A_775 = arith.constant 1 : i32
      %jit3A_776 = arith.constant 0 : i32
      %broadcast_in_dim3A_777 = vector.broadcast %jit3A_775 : i32 to vector<16xi32>
      %broadcast_in_dim3A_778 = vector.broadcast %jit3A_776 : i32 to vector<16xi32>
      %select_n3A_779 = arith.select %and3A_768, %broadcast_in_dim3A_777, %broadcast_in_dim3A_778 : vector<16xi1>, vector<16xi32>
      %add3A_780 = arith.addi %broadcast_in_dim3A_757, %select_n3A_779 : vector<16xi32>
      %gt3A_781 = arith.cmpf ogt, %div3A_93, %get3A_730 : vector<16xf32>
      %lt3A_782 = arith.cmpf olt, %div3A_93, %get3A_735 : vector<16xf32>
      %and3A_783 = arith.andi %gt3A_781, %lt3A_782 : vector<16xi1>
      %gt3A_784 = arith.cmpf ogt, %div3A_97, %get3A_740 : vector<16xf32>
      %and3A_785 = arith.andi %and3A_783, %gt3A_784 : vector<16xi1>
      %lt3A_786 = arith.cmpf olt, %div3A_97, %get3A_745 : vector<16xf32>
      %and3A_787 = arith.andi %and3A_785, %lt3A_786 : vector<16xi1>
      %gt3A_788 = arith.cmpf ogt, %mul3A_101, %get3A_750 : vector<16xf32>
      %and3A_789 = arith.andi %and3A_787, %gt3A_788 : vector<16xi1>
      %lt3A_790 = arith.cmpf olt, %mul3A_105, %get3A_755 : vector<16xf32>
      %and3A_791 = arith.andi %and3A_789, %lt3A_790 : vector<16xi1>
      %add3A_792 = arith.constant 16 : i32
      %add3A_793 = vector.broadcast %add3A_792 : i32 to vector<16xi32>
      %add3A_794 = arith.addi %iota3A, %add3A_793 : vector<16xi32>
      %jit3A_795 = arith.constant 127 : i32
      %broadcast_in_dim3A_796 = vector.broadcast %jit3A_795 : i32 to vector<16xi32>
      %select_n3A_797 = arith.select %and3A_791, %add3A_794, %broadcast_in_dim3A_796 : vector<16xi1>, vector<16xi32>
      %jit3A_798 = arith.constant 1 : i32
      %jit3A_799 = arith.constant 0 : i32
      %broadcast_in_dim3A_800 = vector.broadcast %jit3A_798 : i32 to vector<16xi32>
      %broadcast_in_dim3A_801 = vector.broadcast %jit3A_799 : i32 to vector<16xi32>
      %select_n3A_802 = arith.select %and3A_791, %broadcast_in_dim3A_800, %broadcast_in_dim3A_801 : vector<16xi1>, vector<16xi32>
      %add3A_803 = arith.addi %add3A_780, %select_n3A_802 : vector<16xi32>
      %gt3A_804 = arith.cmpf ogt, %div3A_123, %get3A_730 : vector<16xf32>
      %lt3A_805 = arith.cmpf olt, %div3A_123, %get3A_735 : vector<16xf32>
      %and3A_806 = arith.andi %gt3A_804, %lt3A_805 : vector<16xi1>
      %gt3A_807 = arith.cmpf ogt, %div3A_127, %get3A_740 : vector<16xf32>
      %and3A_808 = arith.andi %and3A_806, %gt3A_807 : vector<16xi1>
      %lt3A_809 = arith.cmpf olt, %div3A_127, %get3A_745 : vector<16xf32>
      %and3A_810 = arith.andi %and3A_808, %lt3A_809 : vector<16xi1>
      %gt3A_811 = arith.cmpf ogt, %mul3A_131, %get3A_750 : vector<16xf32>
      %and3A_812 = arith.andi %and3A_810, %gt3A_811 : vector<16xi1>
      %lt3A_813 = arith.cmpf olt, %mul3A_135, %get3A_755 : vector<16xf32>
      %and3A_814 = arith.andi %and3A_812, %lt3A_813 : vector<16xi1>
      %add3A_815 = arith.constant 32 : i32
      %add3A_816 = vector.broadcast %add3A_815 : i32 to vector<16xi32>
      %add3A_817 = arith.addi %iota3A, %add3A_816 : vector<16xi32>
      %jit3A_818 = arith.constant 127 : i32
      %broadcast_in_dim3A_819 = vector.broadcast %jit3A_818 : i32 to vector<16xi32>
      %select_n3A_820 = arith.select %and3A_814, %add3A_817, %broadcast_in_dim3A_819 : vector<16xi1>, vector<16xi32>
      %jit3A_821 = arith.constant 1 : i32
      %jit3A_822 = arith.constant 0 : i32
      %broadcast_in_dim3A_823 = vector.broadcast %jit3A_821 : i32 to vector<16xi32>
      %broadcast_in_dim3A_824 = vector.broadcast %jit3A_822 : i32 to vector<16xi32>
      %select_n3A_825 = arith.select %and3A_814, %broadcast_in_dim3A_823, %broadcast_in_dim3A_824 : vector<16xi1>, vector<16xi32>
      %add3A_826 = arith.addi %add3A_803, %select_n3A_825 : vector<16xi32>
      %gt3A_827 = arith.cmpf ogt, %div3A_153, %get3A_730 : vector<16xf32>
      %lt3A_828 = arith.cmpf olt, %div3A_153, %get3A_735 : vector<16xf32>
      %and3A_829 = arith.andi %gt3A_827, %lt3A_828 : vector<16xi1>
      %gt3A_830 = arith.cmpf ogt, %div3A_157, %get3A_740 : vector<16xf32>
      %and3A_831 = arith.andi %and3A_829, %gt3A_830 : vector<16xi1>
      %lt3A_832 = arith.cmpf olt, %div3A_157, %get3A_745 : vector<16xf32>
      %and3A_833 = arith.andi %and3A_831, %lt3A_832 : vector<16xi1>
      %gt3A_834 = arith.cmpf ogt, %mul3A_161, %get3A_750 : vector<16xf32>
      %and3A_835 = arith.andi %and3A_833, %gt3A_834 : vector<16xi1>
      %lt3A_836 = arith.cmpf olt, %mul3A_165, %get3A_755 : vector<16xf32>
      %and3A_837 = arith.andi %and3A_835, %lt3A_836 : vector<16xi1>
      %add3A_838 = arith.constant 48 : i32
      %add3A_839 = vector.broadcast %add3A_838 : i32 to vector<16xi32>
      %add3A_840 = arith.addi %iota3A, %add3A_839 : vector<16xi32>
      %jit3A_841 = arith.constant 127 : i32
      %broadcast_in_dim3A_842 = vector.broadcast %jit3A_841 : i32 to vector<16xi32>
      %select_n3A_843 = arith.select %and3A_837, %add3A_840, %broadcast_in_dim3A_842 : vector<16xi1>, vector<16xi32>
      %jit3A_844 = arith.constant 1 : i32
      %jit3A_845 = arith.constant 0 : i32
      %broadcast_in_dim3A_846 = vector.broadcast %jit3A_844 : i32 to vector<16xi32>
      %broadcast_in_dim3A_847 = vector.broadcast %jit3A_845 : i32 to vector<16xi32>
      %select_n3A_848 = arith.select %and3A_837, %broadcast_in_dim3A_846, %broadcast_in_dim3A_847 : vector<16xi1>, vector<16xi32>
      %add3A_849 = arith.addi %add3A_826, %select_n3A_848 : vector<16xi32>
      %gt3A_850 = arith.cmpf ogt, %div3A_183, %get3A_730 : vector<16xf32>
      %lt3A_851 = arith.cmpf olt, %div3A_183, %get3A_735 : vector<16xf32>
      %and3A_852 = arith.andi %gt3A_850, %lt3A_851 : vector<16xi1>
      %gt3A_853 = arith.cmpf ogt, %div3A_187, %get3A_740 : vector<16xf32>
      %and3A_854 = arith.andi %and3A_852, %gt3A_853 : vector<16xi1>
      %lt3A_855 = arith.cmpf olt, %div3A_187, %get3A_745 : vector<16xf32>
      %and3A_856 = arith.andi %and3A_854, %lt3A_855 : vector<16xi1>
      %gt3A_857 = arith.cmpf ogt, %mul3A_191, %get3A_750 : vector<16xf32>
      %and3A_858 = arith.andi %and3A_856, %gt3A_857 : vector<16xi1>
      %lt3A_859 = arith.cmpf olt, %mul3A_195, %get3A_755 : vector<16xf32>
      %and3A_860 = arith.andi %and3A_858, %lt3A_859 : vector<16xi1>
      %add3A_861 = arith.constant 64 : i32
      %add3A_862 = vector.broadcast %add3A_861 : i32 to vector<16xi32>
      %add3A_863 = arith.addi %iota3A, %add3A_862 : vector<16xi32>
      %jit3A_864 = arith.constant 127 : i32
      %broadcast_in_dim3A_865 = vector.broadcast %jit3A_864 : i32 to vector<16xi32>
      %select_n3A_866 = arith.select %and3A_860, %add3A_863, %broadcast_in_dim3A_865 : vector<16xi1>, vector<16xi32>
      %jit3A_867 = arith.constant 1 : i32
      %jit3A_868 = arith.constant 0 : i32
      %broadcast_in_dim3A_869 = vector.broadcast %jit3A_867 : i32 to vector<16xi32>
      %broadcast_in_dim3A_870 = vector.broadcast %jit3A_868 : i32 to vector<16xi32>
      %select_n3A_871 = arith.select %and3A_860, %broadcast_in_dim3A_869, %broadcast_in_dim3A_870 : vector<16xi1>, vector<16xi32>
      %add3A_872 = arith.addi %add3A_849, %select_n3A_871 : vector<16xi32>
      %gt3A_873 = arith.cmpf ogt, %div3A_213, %get3A_730 : vector<16xf32>
      %lt3A_874 = arith.cmpf olt, %div3A_213, %get3A_735 : vector<16xf32>
      %and3A_875 = arith.andi %gt3A_873, %lt3A_874 : vector<16xi1>
      %gt3A_876 = arith.cmpf ogt, %div3A_217, %get3A_740 : vector<16xf32>
      %and3A_877 = arith.andi %and3A_875, %gt3A_876 : vector<16xi1>
      %lt3A_878 = arith.cmpf olt, %div3A_217, %get3A_745 : vector<16xf32>
      %and3A_879 = arith.andi %and3A_877, %lt3A_878 : vector<16xi1>
      %gt3A_880 = arith.cmpf ogt, %mul3A_221, %get3A_750 : vector<16xf32>
      %and3A_881 = arith.andi %and3A_879, %gt3A_880 : vector<16xi1>
      %lt3A_882 = arith.cmpf olt, %mul3A_225, %get3A_755 : vector<16xf32>
      %and3A_883 = arith.andi %and3A_881, %lt3A_882 : vector<16xi1>
      %add3A_884 = arith.constant 80 : i32
      %add3A_885 = vector.broadcast %add3A_884 : i32 to vector<16xi32>
      %add3A_886 = arith.addi %iota3A, %add3A_885 : vector<16xi32>
      %jit3A_887 = arith.constant 127 : i32
      %broadcast_in_dim3A_888 = vector.broadcast %jit3A_887 : i32 to vector<16xi32>
      %select_n3A_889 = arith.select %and3A_883, %add3A_886, %broadcast_in_dim3A_888 : vector<16xi1>, vector<16xi32>
      %jit3A_890 = arith.constant 1 : i32
      %jit3A_891 = arith.constant 0 : i32
      %broadcast_in_dim3A_892 = vector.broadcast %jit3A_890 : i32 to vector<16xi32>
      %broadcast_in_dim3A_893 = vector.broadcast %jit3A_891 : i32 to vector<16xi32>
      %select_n3A_894 = arith.select %and3A_883, %broadcast_in_dim3A_892, %broadcast_in_dim3A_893 : vector<16xi1>, vector<16xi32>
      %add3A_895 = arith.addi %add3A_872, %select_n3A_894 : vector<16xi32>
      %gt3A_896 = arith.cmpf ogt, %div3A_243, %get3A_730 : vector<16xf32>
      %lt3A_897 = arith.cmpf olt, %div3A_243, %get3A_735 : vector<16xf32>
      %and3A_898 = arith.andi %gt3A_896, %lt3A_897 : vector<16xi1>
      %gt3A_899 = arith.cmpf ogt, %div3A_247, %get3A_740 : vector<16xf32>
      %and3A_900 = arith.andi %and3A_898, %gt3A_899 : vector<16xi1>
      %lt3A_901 = arith.cmpf olt, %div3A_247, %get3A_745 : vector<16xf32>
      %and3A_902 = arith.andi %and3A_900, %lt3A_901 : vector<16xi1>
      %gt3A_903 = arith.cmpf ogt, %mul3A_251, %get3A_750 : vector<16xf32>
      %and3A_904 = arith.andi %and3A_902, %gt3A_903 : vector<16xi1>
      %lt3A_905 = arith.cmpf olt, %mul3A_255, %get3A_755 : vector<16xf32>
      %and3A_906 = arith.andi %and3A_904, %lt3A_905 : vector<16xi1>
      %add3A_907 = arith.constant 96 : i32
      %add3A_908 = vector.broadcast %add3A_907 : i32 to vector<16xi32>
      %add3A_909 = arith.addi %iota3A, %add3A_908 : vector<16xi32>
      %jit3A_910 = arith.constant 127 : i32
      %broadcast_in_dim3A_911 = vector.broadcast %jit3A_910 : i32 to vector<16xi32>
      %select_n3A_912 = arith.select %and3A_906, %add3A_909, %broadcast_in_dim3A_911 : vector<16xi1>, vector<16xi32>
      %jit3A_913 = arith.constant 1 : i32
      %jit3A_914 = arith.constant 0 : i32
      %broadcast_in_dim3A_915 = vector.broadcast %jit3A_913 : i32 to vector<16xi32>
      %broadcast_in_dim3A_916 = vector.broadcast %jit3A_914 : i32 to vector<16xi32>
      %select_n3A_917 = arith.select %and3A_906, %broadcast_in_dim3A_915, %broadcast_in_dim3A_916 : vector<16xi1>, vector<16xi32>
      %add3A_918 = arith.addi %add3A_895, %select_n3A_917 : vector<16xi32>
      %min3A_919 = arith.minsi %select_n3A_774, %select_n3A_797 : vector<16xi32>
      %min3A_920 = arith.minsi %min3A_919, %select_n3A_820 : vector<16xi32>
      %min3A_921 = arith.minsi %min3A_920, %select_n3A_843 : vector<16xi32>
      %min3A_922 = arith.minsi %min3A_921, %select_n3A_866 : vector<16xi32>
      %min3A_923 = arith.minsi %min3A_922, %select_n3A_889 : vector<16xi32>
      %min3A_924 = arith.minsi %min3A_923, %select_n3A_912 : vector<16xi32>
      %xor3A_925 = arith.constant 1 : i32
      %xor3A_926 = vector.broadcast %xor3A_925 : i32 to vector<16xi32>
      %xor3A_927 = arith.xori %iota3A, %xor3A_926 : vector<16xi32>
      %lt3A_928 = arith.constant 0 : i32
      %lt3A_929 = vector.broadcast %lt3A_928 : i32 to vector<16xi32>
      %lt3A_930 = arith.cmpi slt, %xor3A_927, %lt3A_929 : vector<16xi32>
      %add3A_931 = arith.constant 16 : i32
      %add3A_932 = vector.broadcast %add3A_931 : i32 to vector<16xi32>
      %add3A_933 = arith.addi %xor3A_927, %add3A_932 : vector<16xi32>
      %select_n3A_934 = arith.select %lt3A_930, %add3A_933, %xor3A_927 : vector<16xi1>, vector<16xi32>
      %reshape3A_935 = vector.shape_cast %select_n3A_934 : vector<16xi32> to vector<16x1xi32>
      %gather3A_936 = vector.shape_cast %reshape3A_935 : vector<16x1xi32> to vector<16xi32>
      %gather3A_937 = tpu.dynamic_gather %min3A_924[%gather3A_936] in [0] : vector<16xi32>, vector<16xi32> -> vector<16xi32>
      %min3A_938 = arith.minsi %min3A_924, %gather3A_937 : vector<16xi32>
      %xor3A_939 = arith.constant 2 : i32
      %xor3A_940 = vector.broadcast %xor3A_939 : i32 to vector<16xi32>
      %xor3A_941 = arith.xori %iota3A, %xor3A_940 : vector<16xi32>
      %lt3A_942 = arith.constant 0 : i32
      %lt3A_943 = vector.broadcast %lt3A_942 : i32 to vector<16xi32>
      %lt3A_944 = arith.cmpi slt, %xor3A_941, %lt3A_943 : vector<16xi32>
      %add3A_945 = arith.constant 16 : i32
      %add3A_946 = vector.broadcast %add3A_945 : i32 to vector<16xi32>
      %add3A_947 = arith.addi %xor3A_941, %add3A_946 : vector<16xi32>
      %select_n3A_948 = arith.select %lt3A_944, %add3A_947, %xor3A_941 : vector<16xi1>, vector<16xi32>
      %reshape3A_949 = vector.shape_cast %select_n3A_948 : vector<16xi32> to vector<16x1xi32>
      %gather3A_950 = vector.shape_cast %reshape3A_949 : vector<16x1xi32> to vector<16xi32>
      %gather3A_951 = tpu.dynamic_gather %min3A_938[%gather3A_950] in [0] : vector<16xi32>, vector<16xi32> -> vector<16xi32>
      %min3A_952 = arith.minsi %min3A_938, %gather3A_951 : vector<16xi32>
      %xor3A_953 = arith.constant 4 : i32
      %xor3A_954 = vector.broadcast %xor3A_953 : i32 to vector<16xi32>
      %xor3A_955 = arith.xori %iota3A, %xor3A_954 : vector<16xi32>
      %lt3A_956 = arith.constant 0 : i32
      %lt3A_957 = vector.broadcast %lt3A_956 : i32 to vector<16xi32>
      %lt3A_958 = arith.cmpi slt, %xor3A_955, %lt3A_957 : vector<16xi32>
      %add3A_959 = arith.constant 16 : i32
      %add3A_960 = vector.broadcast %add3A_959 : i32 to vector<16xi32>
      %add3A_961 = arith.addi %xor3A_955, %add3A_960 : vector<16xi32>
      %select_n3A_962 = arith.select %lt3A_958, %add3A_961, %xor3A_955 : vector<16xi1>, vector<16xi32>
      %reshape3A_963 = vector.shape_cast %select_n3A_962 : vector<16xi32> to vector<16x1xi32>
      %gather3A_964 = vector.shape_cast %reshape3A_963 : vector<16x1xi32> to vector<16xi32>
      %gather3A_965 = tpu.dynamic_gather %min3A_952[%gather3A_964] in [0] : vector<16xi32>, vector<16xi32> -> vector<16xi32>
      %min3A_966 = arith.minsi %min3A_952, %gather3A_965 : vector<16xi32>
      %xor3A_967 = arith.constant 8 : i32
      %xor3A_968 = vector.broadcast %xor3A_967 : i32 to vector<16xi32>
      %xor3A_969 = arith.xori %iota3A, %xor3A_968 : vector<16xi32>
      %lt3A_970 = arith.constant 0 : i32
      %lt3A_971 = vector.broadcast %lt3A_970 : i32 to vector<16xi32>
      %lt3A_972 = arith.cmpi slt, %xor3A_969, %lt3A_971 : vector<16xi32>
      %add3A_973 = arith.constant 16 : i32
      %add3A_974 = vector.broadcast %add3A_973 : i32 to vector<16xi32>
      %add3A_975 = arith.addi %xor3A_969, %add3A_974 : vector<16xi32>
      %select_n3A_976 = arith.select %lt3A_972, %add3A_975, %xor3A_969 : vector<16xi1>, vector<16xi32>
      %reshape3A_977 = vector.shape_cast %select_n3A_976 : vector<16xi32> to vector<16x1xi32>
      %gather3A_978 = vector.shape_cast %reshape3A_977 : vector<16x1xi32> to vector<16xi32>
      %gather3A_979 = tpu.dynamic_gather %min3A_966[%gather3A_978] in [0] : vector<16xi32>, vector<16xi32> -> vector<16xi32>
      %min3A_980 = arith.minsi %min3A_966, %gather3A_979 : vector<16xi32>
      %xor3A_981 = arith.constant 1 : i32
      %xor3A_982 = vector.broadcast %xor3A_981 : i32 to vector<16xi32>
      %xor3A_983 = arith.xori %iota3A, %xor3A_982 : vector<16xi32>
      %lt3A_984 = arith.constant 0 : i32
      %lt3A_985 = vector.broadcast %lt3A_984 : i32 to vector<16xi32>
      %lt3A_986 = arith.cmpi slt, %xor3A_983, %lt3A_985 : vector<16xi32>
      %add3A_987 = arith.constant 16 : i32
      %add3A_988 = vector.broadcast %add3A_987 : i32 to vector<16xi32>
      %add3A_989 = arith.addi %xor3A_983, %add3A_988 : vector<16xi32>
      %select_n3A_990 = arith.select %lt3A_986, %add3A_989, %xor3A_983 : vector<16xi1>, vector<16xi32>
      %reshape3A_991 = vector.shape_cast %select_n3A_990 : vector<16xi32> to vector<16x1xi32>
      %gather3A_992 = vector.shape_cast %reshape3A_991 : vector<16x1xi32> to vector<16xi32>
      %gather3A_993 = tpu.dynamic_gather %add3A_918[%gather3A_992] in [0] : vector<16xi32>, vector<16xi32> -> vector<16xi32>
      %add3A_994 = arith.addi %add3A_918, %gather3A_993 : vector<16xi32>
      %xor3A_995 = arith.constant 2 : i32
      %xor3A_996 = vector.broadcast %xor3A_995 : i32 to vector<16xi32>
      %xor3A_997 = arith.xori %iota3A, %xor3A_996 : vector<16xi32>
      %lt3A_998 = arith.constant 0 : i32
      %lt3A_999 = vector.broadcast %lt3A_998 : i32 to vector<16xi32>
      %lt3A_1000 = arith.cmpi slt, %xor3A_997, %lt3A_999 : vector<16xi32>
      %add3A_1001 = arith.constant 16 : i32
      %add3A_1002 = vector.broadcast %add3A_1001 : i32 to vector<16xi32>
      %add3A_1003 = arith.addi %xor3A_997, %add3A_1002 : vector<16xi32>
      %select_n3A_1004 = arith.select %lt3A_1000, %add3A_1003, %xor3A_997 : vector<16xi1>, vector<16xi32>
      %reshape3A_1005 = vector.shape_cast %select_n3A_1004 : vector<16xi32> to vector<16x1xi32>
      %gather3A_1006 = vector.shape_cast %reshape3A_1005 : vector<16x1xi32> to vector<16xi32>
      %gather3A_1007 = tpu.dynamic_gather %add3A_994[%gather3A_1006] in [0] : vector<16xi32>, vector<16xi32> -> vector<16xi32>
      %add3A_1008 = arith.addi %add3A_994, %gather3A_1007 : vector<16xi32>
      %xor3A_1009 = arith.constant 4 : i32
      %xor3A_1010 = vector.broadcast %xor3A_1009 : i32 to vector<16xi32>
      %xor3A_1011 = arith.xori %iota3A, %xor3A_1010 : vector<16xi32>
      %lt3A_1012 = arith.constant 0 : i32
      %lt3A_1013 = vector.broadcast %lt3A_1012 : i32 to vector<16xi32>
      %lt3A_1014 = arith.cmpi slt, %xor3A_1011, %lt3A_1013 : vector<16xi32>
      %add3A_1015 = arith.constant 16 : i32
      %add3A_1016 = vector.broadcast %add3A_1015 : i32 to vector<16xi32>
      %add3A_1017 = arith.addi %xor3A_1011, %add3A_1016 : vector<16xi32>
      %select_n3A_1018 = arith.select %lt3A_1014, %add3A_1017, %xor3A_1011 : vector<16xi1>, vector<16xi32>
      %reshape3A_1019 = vector.shape_cast %select_n3A_1018 : vector<16xi32> to vector<16x1xi32>
      %gather3A_1020 = vector.shape_cast %reshape3A_1019 : vector<16x1xi32> to vector<16xi32>
      %gather3A_1021 = tpu.dynamic_gather %add3A_1008[%gather3A_1020] in [0] : vector<16xi32>, vector<16xi32> -> vector<16xi32>
      %add3A_1022 = arith.addi %add3A_1008, %gather3A_1021 : vector<16xi32>
      %xor3A_1023 = arith.constant 8 : i32
      %xor3A_1024 = vector.broadcast %xor3A_1023 : i32 to vector<16xi32>
      %xor3A_1025 = arith.xori %iota3A, %xor3A_1024 : vector<16xi32>
      %lt3A_1026 = arith.constant 0 : i32
      %lt3A_1027 = vector.broadcast %lt3A_1026 : i32 to vector<16xi32>
      %lt3A_1028 = arith.cmpi slt, %xor3A_1025, %lt3A_1027 : vector<16xi32>
      %add3A_1029 = arith.constant 16 : i32
      %add3A_1030 = vector.broadcast %add3A_1029 : i32 to vector<16xi32>
      %add3A_1031 = arith.addi %xor3A_1025, %add3A_1030 : vector<16xi32>
      %select_n3A_1032 = arith.select %lt3A_1028, %add3A_1031, %xor3A_1025 : vector<16xi1>, vector<16xi32>
      %reshape3A_1033 = vector.shape_cast %select_n3A_1032 : vector<16xi32> to vector<16x1xi32>
      %gather3A_1034 = vector.shape_cast %reshape3A_1033 : vector<16x1xi32> to vector<16xi32>
      %gather3A_1035 = tpu.dynamic_gather %add3A_1022[%gather3A_1034] in [0] : vector<16xi32>, vector<16xi32> -> vector<16xi32>
      %add3A_1036 = arith.addi %add3A_1022, %gather3A_1035 : vector<16xi32>
      %slice3A_1037 = vector.extract_strided_slice %add3A_1036 {offsets = [0], sizes = [1], strides = [1]} : vector<16xi32> to vector<1xi32>
      %squeeze3A_1038 = vector.extract %slice3A_1037[0] : i32 from vector<1xi32>
      %broadcast_in_dim3A_1039 = arith.constant 0.000000e+00 : f32
      %broadcast_in_dim3A_1040 = vector.broadcast %broadcast_in_dim3A_1039 : f32 to vector<16xf32>
      %broadcast_in_dim3A_1041 = arith.constant 0x4B18967F : f32
      %broadcast_in_dim3A_1042 = vector.broadcast %broadcast_in_dim3A_1041 : f32 to vector<16xf32>
      %broadcast_in_dim3A_1043 = arith.constant 0 : i32
      %broadcast_in_dim3A_1044 = vector.broadcast %broadcast_in_dim3A_1043 : i32 to vector<16xi32>
      %gt3A_1045 = arith.constant 0.000000e+00 : f32
      %gt3A_1046 = vector.broadcast %gt3A_1045 : f32 to vector<16xf32>
      %gt3A_1047 = arith.cmpf ogt, %get3A_705, %gt3A_1046 : vector<16xf32>
      %jit3A_1048 = arith.constant 1 : i32
      %jit3A_1049 = arith.constant 0 : i32
      %broadcast_in_dim3A_1050 = vector.broadcast %jit3A_1048 : i32 to vector<16xi32>
      %broadcast_in_dim3A_1051 = vector.broadcast %jit3A_1049 : i32 to vector<16xi32>
      %select_n3A_1052 = arith.select %gt3A_1047, %broadcast_in_dim3A_1050, %broadcast_in_dim3A_1051 : vector<16xi1>, vector<16xi32>
      %lt3A_1053 = arith.constant 0x4B18967F : f32
      %lt3A_1054 = vector.broadcast %lt3A_1053 : f32 to vector<16xf32>
      %lt3A_1055 = arith.cmpf olt, %get3A_705, %lt3A_1054 : vector<16xf32>
      %min3A_1056 = arith.minimumf %get3A_710, %get3A_720 : vector<16xf32>
      %max3A_1057 = arith.maximumf %get3A_710, %get3A_720 : vector<16xf32>
      %min3A_1058 = arith.minimumf %get3A_715, %get3A_725 : vector<16xf32>
      %max3A_1059 = arith.maximumf %get3A_715, %get3A_725 : vector<16xf32>
      %mul3A_1060 = arith.mulf %min3A_1056, %min3A_1058 : vector<16xf32>
      %mul3A_1061 = arith.mulf %max3A_1057, %max3A_1059 : vector<16xf32>
      %add3A_1062 = arith.constant 1.000000e-10 : f32
      %add3A_1063 = vector.broadcast %add3A_1062 : f32 to vector<16xf32>
      %add3A_1064 = arith.addf %mul3A_1061, %add3A_1063 : vector<16xf32>
      %div3A_1065 = arith.divf %mul3A_1060, %add3A_1064 : vector<16xf32>
      %jit3A_1066 = arith.constant 1.000000e+00 : f32
      %broadcast_in_dim3A_1067 = vector.broadcast %jit3A_1066 : f32 to vector<16xf32>
      %select_n3A_1068 = arith.select %lt3A_1055, %div3A_1065, %broadcast_in_dim3A_1067 : vector<16xi1>, vector<16xf32>
      %bitcast_convert_type3A_1069 = tpu.bitcast %select_n3A_1068 : vector<16xf32> -> vector<16xi32>
      %shift_right_arithmetic3A_1070 = arith.constant 1 : i32
      %shift_right_arithmetic3A_1071 = vector.broadcast %shift_right_arithmetic3A_1070 : i32 to vector<16xi32>
      %shift_right_arithmetic3A_1072 = arith.shrsi %bitcast_convert_type3A_1069, %shift_right_arithmetic3A_1071 : vector<16xi32>
      %sub3A_1073 = arith.constant 1597463007 : i32
      %sub3A_1074 = vector.broadcast %sub3A_1073 : i32 to vector<16xi32>
      %sub3A_1075 = arith.subi %sub3A_1074, %shift_right_arithmetic3A_1072 : vector<16xi32>
      %bitcast_convert_type3A_1076 = tpu.bitcast %sub3A_1075 : vector<16xi32> -> vector<16xf32>
      %mul3A_1077 = arith.constant 5.000000e-01 : f32
      %mul3A_1078 = vector.broadcast %mul3A_1077 : f32 to vector<16xf32>
      %mul3A_1079 = arith.mulf %mul3A_1078, %select_n3A_1068 : vector<16xf32>
      %mul3A_1080 = arith.mulf %mul3A_1079, %bitcast_convert_type3A_1076 : vector<16xf32>
      %mul3A_1081 = arith.mulf %mul3A_1080, %bitcast_convert_type3A_1076 : vector<16xf32>
      %sub3A_1082 = arith.constant 1.500000e+00 : f32
      %sub3A_1083 = vector.broadcast %sub3A_1082 : f32 to vector<16xf32>
      %sub3A_1084 = arith.subf %sub3A_1083, %mul3A_1081 : vector<16xf32>
      %mul3A_1085 = arith.mulf %bitcast_convert_type3A_1076, %sub3A_1084 : vector<16xf32>
      %mul3A_1086 = arith.constant 5.000000e-01 : f32
      %mul3A_1087 = vector.broadcast %mul3A_1086 : f32 to vector<16xf32>
      %mul3A_1088 = arith.mulf %mul3A_1087, %select_n3A_1068 : vector<16xf32>
      %mul3A_1089 = arith.mulf %mul3A_1088, %mul3A_1085 : vector<16xf32>
      %mul3A_1090 = arith.mulf %mul3A_1089, %mul3A_1085 : vector<16xf32>
      %sub3A_1091 = arith.constant 1.500000e+00 : f32
      %sub3A_1092 = vector.broadcast %sub3A_1091 : f32 to vector<16xf32>
      %sub3A_1093 = arith.subf %sub3A_1092, %mul3A_1090 : vector<16xf32>
      %mul3A_1094 = arith.mulf %mul3A_1085, %sub3A_1093 : vector<16xf32>
      %mul3A_1095 = arith.constant 5.000000e-01 : f32
      %mul3A_1096 = vector.broadcast %mul3A_1095 : f32 to vector<16xf32>
      %mul3A_1097 = arith.mulf %mul3A_1096, %select_n3A_1068 : vector<16xf32>
      %mul3A_1098 = arith.mulf %mul3A_1097, %mul3A_1094 : vector<16xf32>
      %mul3A_1099 = arith.mulf %mul3A_1098, %mul3A_1094 : vector<16xf32>
      %sub3A_1100 = arith.constant 1.500000e+00 : f32
      %sub3A_1101 = vector.broadcast %sub3A_1100 : f32 to vector<16xf32>
      %sub3A_1102 = arith.subf %sub3A_1101, %mul3A_1099 : vector<16xf32>
      %mul3A_1103 = arith.mulf %mul3A_1094, %sub3A_1102 : vector<16xf32>
      %mul3A_1104 = arith.mulf %select_n3A_1068, %mul3A_1103 : vector<16xf32>
      %broadcast_in_dim3A_1105 = arith.constant -1.000000e+00 : f32
      %broadcast_in_dim3A_1106 = vector.broadcast %broadcast_in_dim3A_1105 : f32 to vector<16xf32>
      %mul3A_1107 = arith.constant 16 : i32
      %mul3A_1108 = arith.muli %add3A_700, %mul3A_1107 : i32
      %jit3A_1109 = arith.constant 0 : i32
      %broadcast_in_dim3A_1110 = vector.broadcast %jit3A_1109 : i32 to vector<16xi32>
      %select_n3A_1111 = arith.select %lt3A_1055, %select_n3A_1052, %broadcast_in_dim3A_1110 : vector<16xi1>, vector<16xi32>
      %swap3A_1112 = arith.index_cast %mul3A_1108 : i32 to index
      %swap3A_1113 = tpu.vector_load %arg14[%swap3A_1112] {strides = array<i32>} : memref<1376xi32, #tpu.memory_space<vmem>>, vector<16xi32>,
      %swap3A_1114 = vector.shape_cast %swap3A_1113 : vector<16xi32> to vector<16xi32>
      %swap3A_1115 = vector.shape_cast %select_n3A_1111 : vector<16xi32> to vector<16xi32>
      tpu.vector_store %arg14[%swap3A_1112], %swap3A_1115 {strides = array<i32>} : memref<1376xi32, #tpu.memory_space<vmem>>, vector<16xi32>,
      %select_n3A_1116 = arith.select %lt3A_1055, %mul3A_1104, %broadcast_in_dim3A_1106 : vector<16xi1>, vector<16xf32>
      %swap3A_1117 = arith.index_cast %mul3A_1108 : i32 to index
      %swap3A_1118 = tpu.vector_load %arg15[%swap3A_1117] {strides = array<i32>} : memref<1376xf32, #tpu.memory_space<vmem>>, vector<16xf32>,
      %swap3A_1119 = vector.shape_cast %swap3A_1118 : vector<16xf32> to vector<16xf32>
      %swap3A_1120 = vector.shape_cast %select_n3A_1116 : vector<16xf32> to vector<16xf32>
      tpu.vector_store %arg15[%swap3A_1117], %swap3A_1120 {strides = array<i32>} : memref<1376xf32, #tpu.memory_space<vmem>>, vector<16xf32>,
      %select_n3A_1121 = arith.select %lt3A_1055, %get3A_710, %broadcast_in_dim3A_1106 : vector<16xi1>, vector<16xf32>
      %swap3A_1122 = arith.index_cast %mul3A_1108 : i32 to index
      %swap3A_1123 = tpu.vector_load %arg16[%swap3A_1122] {strides = array<i32>} : memref<1376xf32, #tpu.memory_space<vmem>>, vector<16xf32>,
      %swap3A_1124 = vector.shape_cast %swap3A_1123 : vector<16xf32> to vector<16xf32>
      %swap3A_1125 = vector.shape_cast %select_n3A_1121 : vector<16xf32> to vector<16xf32>
      tpu.vector_store %arg16[%swap3A_1122], %swap3A_1125 {strides = array<i32>} : memref<1376xf32, #tpu.memory_space<vmem>>, vector<16xf32>,
      %select_n3A_1126 = arith.select %lt3A_1055, %get3A_715, %broadcast_in_dim3A_1106 : vector<16xi1>, vector<16xf32>
      %swap3A_1127 = arith.index_cast %mul3A_1108 : i32 to index
      %swap3A_1128 = tpu.vector_load %arg17[%swap3A_1127] {strides = array<i32>} : memref<1376xf32, #tpu.memory_space<vmem>>, vector<16xf32>,
      %swap3A_1129 = vector.shape_cast %swap3A_1128 : vector<16xf32> to vector<16xf32>
      %swap3A_1130 = vector.shape_cast %select_n3A_1126 : vector<16xf32> to vector<16xf32>
      tpu.vector_store %arg17[%swap3A_1127], %swap3A_1130 {strides = array<i32>} : memref<1376xf32, #tpu.memory_space<vmem>>, vector<16xf32>,
      %select_n3A_1131 = arith.select %lt3A_1055, %get3A_720, %broadcast_in_dim3A_1106 : vector<16xi1>, vector<16xf32>
      %swap3A_1132 = arith.index_cast %mul3A_1108 : i32 to index
      %swap3A_1133 = tpu.vector_load %arg18[%swap3A_1132] {strides = array<i32>} : memref<1376xf32, #tpu.memory_space<vmem>>, vector<16xf32>,
      %swap3A_1134 = vector.shape_cast %swap3A_1133 : vector<16xf32> to vector<16xf32>
      %swap3A_1135 = vector.shape_cast %select_n3A_1131 : vector<16xf32> to vector<16xf32>
      tpu.vector_store %arg18[%swap3A_1132], %swap3A_1135 {strides = array<i32>} : memref<1376xf32, #tpu.memory_space<vmem>>, vector<16xf32>,
      %select_n3A_1136 = arith.select %lt3A_1055, %get3A_725, %broadcast_in_dim3A_1106 : vector<16xi1>, vector<16xf32>
      %swap3A_1137 = arith.index_cast %mul3A_1108 : i32 to index
      %swap3A_1138 = tpu.vector_load %arg19[%swap3A_1137] {strides = array<i32>} : memref<1376xf32, #tpu.memory_space<vmem>>, vector<16xf32>,
      %swap3A_1139 = vector.shape_cast %swap3A_1138 : vector<16xf32> to vector<16xf32>
      %swap3A_1140 = vector.shape_cast %select_n3A_1136 : vector<16xf32> to vector<16xf32>
      tpu.vector_store %arg19[%swap3A_1137], %swap3A_1140 {strides = array<i32>} : memref<1376xf32, #tpu.memory_space<vmem>>, vector<16xf32>,
    }
    %scan3A_260 = arith.constant 43 : i32
    %mul3A_261 = arith.constant 5504 : i32
    %mul3A_262 = arith.muli %select_n3A, %mul3A_261 : i32
    %add3A_263 = arith.addi %mul3A_262, %mul3A_32 : i32
    "tpu.region"() ({
      %run_scoped3A = tpu.sem_alloc : memref<!tpu.dma_semaphore, #tpu.memory_space<semaphore_mem>>
      %dma_start3A_264 = tpu.memref_slice %arg5[%add3A_263] : memref<44032xi32, #tpu.memory_space<hbm>> -> memref<1376xi32, #tpu.memory_space<hbm>>
      %dma_start3A_265 = tpu.memref_slice %arg5[%add3A_263] : memref<44032xi32, #tpu.memory_space<hbm>> -> memref<1376xi32, #tpu.memory_space<hbm>>
      tpu.enqueue_dma source(%arg14 : memref<1376xi32, #tpu.memory_space<vmem>>) target(%dma_start3A_265 : memref<1376xi32, #tpu.memory_space<hbm>>) target_semaphore(%run_scoped3A : memref<!tpu.dma_semaphore, #tpu.memory_space<semaphore_mem>>)
      %dma_wait3A_266 = tpu.memref_slice %arg5[%add3A_263] : memref<44032xi32, #tpu.memory_space<hbm>> -> memref<1376xi32, #tpu.memory_space<hbm>>
      %dma_wait3A_267 = tpu.memref_slice %arg5[%add3A_263] : memref<44032xi32, #tpu.memory_space<hbm>> -> memref<1376xi32, #tpu.memory_space<hbm>>
      tpu.wait_dma2 semaphore(%run_scoped3A : memref<!tpu.dma_semaphore, #tpu.memory_space<semaphore_mem>>) src(%arg14 : memref<1376xi32, #tpu.memory_space<vmem>>) dst(%dma_wait3A_267 : memref<1376xi32, #tpu.memory_space<hbm>>)
      tpu.yield
    }) : () -> ()
    "tpu.region"() ({
      %run_scoped3A = tpu.sem_alloc : memref<!tpu.dma_semaphore, #tpu.memory_space<semaphore_mem>>
      %dma_start3A_264 = tpu.memref_slice %arg6[%add3A_263] : memref<44032xf32, #tpu.memory_space<hbm>> -> memref<1376xf32, #tpu.memory_space<hbm>>
      %dma_start3A_265 = tpu.memref_slice %arg6[%add3A_263] : memref<44032xf32, #tpu.memory_space<hbm>> -> memref<1376xf32, #tpu.memory_space<hbm>>
      tpu.enqueue_dma source(%arg15 : memref<1376xf32, #tpu.memory_space<vmem>>) target(%dma_start3A_265 : memref<1376xf32, #tpu.memory_space<hbm>>) target_semaphore(%run_scoped3A : memref<!tpu.dma_semaphore, #tpu.memory_space<semaphore_mem>>)
      %dma_wait3A_266 = tpu.memref_slice %arg6[%add3A_263] : memref<44032xf32, #tpu.memory_space<hbm>> -> memref<1376xf32, #tpu.memory_space<hbm>>
      %dma_wait3A_267 = tpu.memref_slice %arg6[%add3A_263] : memref<44032xf32, #tpu.memory_space<hbm>> -> memref<1376xf32, #tpu.memory_space<hbm>>
      tpu.wait_dma2 semaphore(%run_scoped3A : memref<!tpu.dma_semaphore, #tpu.memory_space<semaphore_mem>>) src(%arg15 : memref<1376xf32, #tpu.memory_space<vmem>>) dst(%dma_wait3A_267 : memref<1376xf32, #tpu.memory_space<hbm>>)
      tpu.yield
    }) : () -> ()
    "tpu.region"() ({
      %run_scoped3A = tpu.sem_alloc : memref<!tpu.dma_semaphore, #tpu.memory_space<semaphore_mem>>
      %dma_start3A_264 = tpu.memref_slice %arg7[%add3A_263] : memref<44032xf32, #tpu.memory_space<hbm>> -> memref<1376xf32, #tpu.memory_space<hbm>>
      %dma_start3A_265 = tpu.memref_slice %arg7[%add3A_263] : memref<44032xf32, #tpu.memory_space<hbm>> -> memref<1376xf32, #tpu.memory_space<hbm>>
      tpu.enqueue_dma source(%arg16 : memref<1376xf32, #tpu.memory_space<vmem>>) target(%dma_start3A_265 : memref<1376xf32, #tpu.memory_space<hbm>>) target_semaphore(%run_scoped3A : memref<!tpu.dma_semaphore, #tpu.memory_space<semaphore_mem>>)
      %dma_wait3A_266 = tpu.memref_slice %arg7[%add3A_263] : memref<44032xf32, #tpu.memory_space<hbm>> -> memref<1376xf32, #tpu.memory_space<hbm>>
      %dma_wait3A_267 = tpu.memref_slice %arg7[%add3A_263] : memref<44032xf32, #tpu.memory_space<hbm>> -> memref<1376xf32, #tpu.memory_space<hbm>>
      tpu.wait_dma2 semaphore(%run_scoped3A : memref<!tpu.dma_semaphore, #tpu.memory_space<semaphore_mem>>) src(%arg16 : memref<1376xf32, #tpu.memory_space<vmem>>) dst(%dma_wait3A_267 : memref<1376xf32, #tpu.memory_space<hbm>>)
      tpu.yield
    }) : () -> ()
    "tpu.region"() ({
      %run_scoped3A = tpu.sem_alloc : memref<!tpu.dma_semaphore, #tpu.memory_space<semaphore_mem>>
      %dma_start3A_264 = tpu.memref_slice %arg8[%add3A_263] : memref<44032xf32, #tpu.memory_space<hbm>> -> memref<1376xf32, #tpu.memory_space<hbm>>
      %dma_start3A_265 = tpu.memref_slice %arg8[%add3A_263] : memref<44032xf32, #tpu.memory_space<hbm>> -> memref<1376xf32, #tpu.memory_space<hbm>>
      tpu.enqueue_dma source(%arg17 : memref<1376xf32, #tpu.memory_space<vmem>>) target(%dma_start3A_265 : memref<1376xf32, #tpu.memory_space<hbm>>) target_semaphore(%run_scoped3A : memref<!tpu.dma_semaphore, #tpu.memory_space<semaphore_mem>>)
      %dma_wait3A_266 = tpu.memref_slice %arg8[%add3A_263] : memref<44032xf32, #tpu.memory_space<hbm>> -> memref<1376xf32, #tpu.memory_space<hbm>>
      %dma_wait3A_267 = tpu.memref_slice %arg8[%add3A_263] : memref<44032xf32, #tpu.memory_space<hbm>> -> memref<1376xf32, #tpu.memory_space<hbm>>
      tpu.wait_dma2 semaphore(%run_scoped3A : memref<!tpu.dma_semaphore, #tpu.memory_space<semaphore_mem>>) src(%arg17 : memref<1376xf32, #tpu.memory_space<vmem>>) dst(%dma_wait3A_267 : memref<1376xf32, #tpu.memory_space<hbm>>)
      tpu.yield
    }) : () -> ()
    "tpu.region"() ({
      %run_scoped3A = tpu.sem_alloc : memref<!tpu.dma_semaphore, #tpu.memory_space<semaphore_mem>>
      %dma_start3A_264 = tpu.memref_slice %arg9[%add3A_263] : memref<44032xf32, #tpu.memory_space<hbm>> -> memref<1376xf32, #tpu.memory_space<hbm>>
      %dma_start3A_265 = tpu.memref_slice %arg9[%add3A_263] : memref<44032xf32, #tpu.memory_space<hbm>> -> memref<1376xf32, #tpu.memory_space<hbm>>
      tpu.enqueue_dma source(%arg18 : memref<1376xf32, #tpu.memory_space<vmem>>) target(%dma_start3A_265 : memref<1376xf32, #tpu.memory_space<hbm>>) target_semaphore(%run_scoped3A : memref<!tpu.dma_semaphore, #tpu.memory_space<semaphore_mem>>)
      %dma_wait3A_266 = tpu.memref_slice %arg9[%add3A_263] : memref<44032xf32, #tpu.memory_space<hbm>> -> memref<1376xf32, #tpu.memory_space<hbm>>
      %dma_wait3A_267 = tpu.memref_slice %arg9[%add3A_263] : memref<44032xf32, #tpu.memory_space<hbm>> -> memref<1376xf32, #tpu.memory_space<hbm>>
      tpu.wait_dma2 semaphore(%run_scoped3A : memref<!tpu.dma_semaphore, #tpu.memory_space<semaphore_mem>>) src(%arg18 : memref<1376xf32, #tpu.memory_space<vmem>>) dst(%dma_wait3A_267 : memref<1376xf32, #tpu.memory_space<hbm>>)
      tpu.yield
    }) : () -> ()
    "tpu.region"() ({
      %run_scoped3A = tpu.sem_alloc : memref<!tpu.dma_semaphore, #tpu.memory_space<semaphore_mem>>
      %dma_start3A_264 = tpu.memref_slice %arg10[%add3A_263] : memref<44032xf32, #tpu.memory_space<hbm>> -> memref<1376xf32, #tpu.memory_space<hbm>>
      %dma_start3A_265 = tpu.memref_slice %arg10[%add3A_263] : memref<44032xf32, #tpu.memory_space<hbm>> -> memref<1376xf32, #tpu.memory_space<hbm>>
      tpu.enqueue_dma source(%arg19 : memref<1376xf32, #tpu.memory_space<vmem>>) target(%dma_start3A_265 : memref<1376xf32, #tpu.memory_space<hbm>>) target_semaphore(%run_scoped3A : memref<!tpu.dma_semaphore, #tpu.memory_space<semaphore_mem>>)
      %dma_wait3A_266 = tpu.memref_slice %arg10[%add3A_263] : memref<44032xf32, #tpu.memory_space<hbm>> -> memref<1376xf32, #tpu.memory_space<hbm>>
      %dma_wait3A_267 = tpu.memref_slice %arg10[%add3A_263] : memref<44032xf32, #tpu.memory_space<hbm>> -> memref<1376xf32, #tpu.memory_space<hbm>>
      tpu.wait_dma2 semaphore(%run_scoped3A : memref<!tpu.dma_semaphore, #tpu.memory_space<semaphore_mem>>) src(%arg19 : memref<1376xf32, #tpu.memory_space<vmem>>) dst(%dma_wait3A_267 : memref<1376xf32, #tpu.memory_space<hbm>>)
      tpu.yield
    }) : () -> ()
    return
  }
}

</mosaic_0001>

<sc_bundles>
// kernel: kernel.3.cloned.1.call-start
scs
__scs_entry_jumppad:
0x0: {  	(pc) =	sbr.rel $0x88, $3  }
0x1: {  	(tag) =	ssettag $0x0;
	lr =	simm.s32 $0x1  }
0x2: {  	[smem:$0x3F9F] =	sst lr;
	_ =	strace $0xD0000000  }
0x3: {  	_ = 	snop  }
0x4: {  	_ = 	snop  }
0x5: {  	_ = 	snop  }
0x6: {  	_ = 	snop  }
0x7: {  	_ = 	snop  }
__scs_overlays_trampoline_lowered:
0x8: {  	[smem:$0x3FAE] =	sst s0  }
0x9: {  	[smem:$0x3FAF] =	sst s1  }
0xa: {  	[smem:$0x3FB0] =	sst s2  }
0xb: {  	[smem:$0x3FB1] =	sst s3  }
0xc: {  	[smem:$0x3FB2] =	sst s4  }
0xd: {  	[smem:$0x3FB3] =	sst s5  }
0xe: {  	[smem:$0x3FB4] =	sst s6  }
0xf: {  	[smem:$0x3FB5] =	sst s7  }
0x10: {  	[smem:$0x3FB6] =	sst s8  }
0x11: {  	[smem:$0x3FB7] =	sst s9;
	s0 =	simm.s32 @!p0 $0x0  }
0x12: {  	s1 =	sld [smem:$0x3F9D];
	s0 =	simm.s32 @p0 $0x1  }
0x13: {  	[smem:$0x3FB8] =	sst s0;
	s0 =	simm.s32 @!p1 $0x0  }
0x14: {  	s2 =	sld [smem:$0x3F9C];
	s0 =	simm.s32 @p1 $0x1  }
0x15: {  	[smem:$0x3FB9] =	sst s0;
	s0 =	simm.s32 @!p2 $0x0  }
0x16: {  	s3 =	sld [smem:$0x3FDB];
	s0 =	simm.s32 @p2 $0x1  }
0x17: {  	s4 =	simm.s32 $0x1BF5;
	[smem:$0x3FBB] =	sst s0  }
0x18: {  	s0 =	sld [smem:$0x3F9E];
	_ =	swait.ge [sflag:s4], $0x0  }
0x19: {  	s7 =	sld [smem:$0x3F9F]  }
0x1a: {  	s8 =	sadd.s32 $0xFFFFE003, lr  }
0x1b: {  	s9 =	sadd.s32 $0xFFFFFEF7, lr;
	s5 =	simm.s32 $0xFFFFFFFF;
	p2 =	slt.u32 s8, $0xFFFFF086  }
0x1c: {  	p1 =	slt.u32 s9, $0xF7A;
	s5 =	simm.s32 @!p2 $0x0  }
0x1d: {  	s5 =	simm.s32 @p1 $0x1;
	p0 =	seq.s32 s7, s2  }
0x1e: {  	s7 =	smul.u32 @!p0 $0xF7A, s2;
	p2 =	seq.s32 @!p0 s5, $0x0  }
0x1f: {  	s9 =	smul.u32 $0xF7A, s1;
	s8 =	simm.s32 @!p0 $0x1BF5;
	p2 =	por !p2, p0  }
0x20: {  	[sflag:s8] =	ssyncset.s32 @!p0 $0xFFFFF086;
	s6 =	sadd.s32 @!p0 s3, s7;
	s7 =	simm.s32 @!p0 $0x108  }
0x21: {  	s3 =	sadd.s32 s3, s9;
	s6 =	sadd.s32 @!p0 $0x88, s6;
	s7 =	simm.s32 @p2 $0x1082  }
0x22: {  	[simem:s7], [sflag:s8] =	dma.local @!p0 [hbm:s6], $0xF7A  }
0x23: {  	s9 =	sor.u32 $0xD0000000, s2;
	s6 =	simm.s32 $0x108;
	_ =	swait.ge @!p0 [sflag:s8], $0x0  }
0x24: {  	s3 =	sadd.s32 $0x88, s3;
	s6 =	simm.s32 @!p1 $0x1082;
	[sflag:s4] =	ssyncset.s32 $0xFFFFF086  }
0x25: {  	[simem:s6], [sflag:s4] =	dma.local [hbm:s3], $0xF7A  }
0x26: {  	[smem:$0x3F9F] =	sst s1;
	(tag) =	ssettag s2;
	_ =	strace s9  }
0x27: {  	s1 =	sld [smem:$0x3FAF]  }
0x28: {  	s2 =	sld [smem:$0x3FB0]  }
0x29: {  	s4 =	sld [smem:$0x3FB2]  }
0x2a: {  	p0 =	seq.s32 s5, $0x0;
	s5 =	sld [smem:$0x3FB3]  }
0x2b: {  	s6 =	sld [smem:$0x3FB4]  }
0x2c: {  	s7 =	sld [smem:$0x3FB5]  }
0x2d: {  	s3 =	simm.s32 $0x108;
	s8 =	sld [smem:$0x3FB6]  }
0x2e: {  	s3 =	simm.s32 @!p0 $0x1082;
	s9 =	sld [smem:$0x3FB7]  }
0x2f: {  	lr =	sadd.s32 s0, s3;
	s0 =	sld [smem:$0x3FAE]  }
0x30: {  	s3 =	sld [smem:$0x3FB1]  }
0x31: {  	[smem:$0x3FBA] =	sst s10  }
0x32: {  	s10 =	sld [smem:$0x3FB8];
	_ =	sdelay $0x3  }
0x33: {  	p0 =	seq.s32 s10, $0x1;
	s10 =	sld [smem:$0x3FBA];
	_ =	sdelay $0x3  }
0x34: {  	[smem:$0x3FBA] =	sst s10  }
0x35: {  	s10 =	sld [smem:$0x3FB9];
	_ =	sdelay $0x3  }
0x36: {  	p1 =	seq.s32 s10, $0x1;
	s10 =	sld [smem:$0x3FBA];
	_ =	sdelay $0x3  }
0x37: {  	[smem:$0x3FBA] =	sst s10  }
0x38: {  	s10 =	sld [smem:$0x3FBB]  }
0x39: {  	_ = 	snop;
	(pc) =	sbr.ind lr, $3  }
0x3a: {  	_ = 	snop  }
0x3b: {  	_ = 	snop  }
0x3c: {  	p2 =	seq.s32 s10, $0x1;
	s10 =	sld [smem:$0x3FBA]  }
0x3d: {  	_ =	shalt  }
0x3e: {  	_ =	shalt  }
0x3f: {  	_ =	shalt  }
0x40: {  	_ =	shalt  }
0x41: {  	_ =	shalt  }
0x42: {  	_ =	shalt  }
0x43: {  	_ =	shalt  }
0x44: {  	_ =	shalt  }
0x45: {  	_ =	shalt  }
0x46: {  	_ =	shalt  }
0x47: {  	_ =	shalt  }
0x48: {  	_ =	shalt  }
0x49: {  	_ =	shalt  }
0x4a: {  	_ =	shalt  }
0x4b: {  	_ =	shalt  }
0x4c: {  	_ =	shalt  }
0x4d: {  	_ =	shalt  }
0x4e: {  	_ =	shalt  }
0x4f: {  	_ =	shalt  }
0x50: {  	_ =	shalt  }
0x51: {  	_ =	shalt  }
0x52: {  	_ =	shalt  }
0x53: {  	_ =	shalt  }
0x54: {  	_ =	shalt  }
0x55: {  	_ =	shalt  }
0x56: {  	_ =	shalt  }
0x57: {  	_ =	shalt  }
0x58: {  	_ =	shalt  }
0x59: {  	_ =	shalt  }
0x5a: {  	_ =	shalt  }
0x5b: {  	_ =	shalt  }
0x5c: {  	_ =	shalt  }
0x5d: {  	_ =	shalt  }
0x5e: {  	_ =	shalt  }
0x5f: {  	_ =	shalt  }
0x60: {  	_ =	shalt  }
0x61: {  	_ =	shalt  }
0x62: {  	_ =	shalt  }
0x63: {  	_ =	shalt  }
0x64: {  	_ =	shalt  }
0x65: {  	_ =	shalt  }
0x66: {  	_ =	shalt  }
0x67: {  	_ =	shalt  }
0x68: {  	_ =	shalt  }
0x69: {  	_ =	shalt  }
0x6a: {  	_ =	shalt  }
0x6b: {  	_ =	shalt  }
0x6c: {  	_ =	shalt  }
0x6d: {  	_ =	shalt  }
0x6e: {  	_ =	shalt  }
0x6f: {  	_ =	shalt  }
0x70: {  	_ =	shalt  }
0x71: {  	_ =	shalt  }
0x72: {  	_ =	shalt  }
0x73: {  	_ =	shalt  }
0x74: {  	_ =	shalt  }
0x75: {  	_ =	shalt  }
0x76: {  	_ =	shalt  }
0x77: {  	_ =	shalt  }
0x78: {  	_ =	shalt  }
0x79: {  	_ =	shalt  }
0x7a: {  	_ =	shalt  }
0x7b: {  	_ =	shalt  }
0x7c: {  	_ =	shalt  }
0x7d: {  	_ =	shalt  }
0x7e: {  	_ =	shalt  }
0x7f: {  	_ =	shalt  }
0x80: {  	_ =	shalt  }
0x81: {  	_ =	shalt  }
0x82: {  	_ =	shalt  }
0x83: {  	_ =	shalt  }
0x84: {  	_ =	shalt  }
0x85: {  	_ =	shalt  }
0x86: {  	_ =	shalt  }
0x87: {  	_ =	shalt  }
.Lfunc_end0:
.L_simem_size_0:
called_computation_lowered:
.L_overlay_start_0:
0x88: {  	s2 =	sld [smem:$0x3FD9]  }
0x89: {  	s3 =	sld [smem:$0x3FFE];
	_ =	sdelay $0x1  }
0x8a: {  	s1 =	srdreg.scid  }
0x8b: {  	s0 =	sand.u32 $0x1, s1  }
0x8c: {  	s14 =	sshll.u32 s0, $0xA;
	s2 =	sadd.s32 s3, s2  }
0x8d: {  	s2 =	sadd.s32 s2, s14  }
0x8e: {  	[smem:$0x3FC6] =	sst s2  }
0x8f: {  	_ = 	snop  }
0x90: {  	s2 =	sld [smem:$0x3FD0];
	_ =	sdelay $0x2  }
0x91: {  	s15 =	simm.s32 $0xA;
	s4 =	simm.s32 $0x10  }
0x92: {  	[smem:s4], [sflag:s15] =	dma.local [hbm:s2], $0x1  }
0x93: {  	_ =	swait.eq [sflag:s15], $0x1  }
0x94: {  	s16 =	sld [smem:$0x10];
	[sflag:s15] =	ssyncset.done $0x0  }
0x95: {  	s17 =	sld [smem:$0x11];
	[sflag:s15] =	ssyncadd.s32 $0xFFFFFFFF  }
0x96: {  	s18 =	sld [smem:$0x12];
	(tm) =	ssettm $0x1  }
0x97: {  	s5 =	sld [smem:$0x3FFB];
	_ =	sdelay $0x3  }
0x98: {  	_ =	strace s5  }
0x99: {  	s5 =	sld [smem:$0x3FFC];
	_ =	sdelay $0x3  }
0x9a: {  	_ =	strace s5  }
0x9b: {  	s5 =	sld [smem:$0x3FFD];
	_ =	sdelay $0x3  }
0x9c: {  	_ =	strace s5  }
0x9d: {  	_ =	strace $0x8FFFFFFF  }
0x9e: {  	s19 =	sld [smem:$0x3FDB];
	_ =	sdelay $0x1  }
0x9f: {  	s6 =	simm.s32 $_scs_section_size  }
0xa0: {  	s7 =	simm.s32 $_size__tile_overlayer_lowered;
	s8 =	simm.s32 $_tile_overlayer_lowered  }
0xa1: {  	s22 =	simm.s32 $0x1BFF;
	s21 =	sshll.u32 s8, $0x1;
	s5 =	sadd.s32 s6, s19  }
0xa2: {  	s9 =	simm.s32 $0x0;
	s20 =	sshll.u32 s7, $0x1;
	s7 =	sadd.s32 s21, s5  }
0xa3: {  	[timem:s9], [sflag:s22] =	dma.local [hbm:s7], s20  }
0xa4: {  	_ =	swait.ge [sflag:s22], s20  }
0xa5: {  	s6 =	ssub.s32 $0x0, s20;
	[sflag:s22] =	ssyncset.done $0x0  }
0xa6: {  	[sflag:s22] =	ssyncadd.s32 s6;
	_ =	sdelay $0x1  }
0xa7: {  	s23 =	simm.s32 $0x1B8B  }
0xa8: {  	_ =	swait.ge [sflag:s23], $0x1  }
0xa9: {  	[sflag:s23] =	ssyncset.done $0x0  }
0xaa: {  	s25 =	simm.s32 $0x1B8E;
	s24 =	sld [smem:$0x3FFE];
	[sflag:s23] =	ssyncadd.s32 $0xFFFFFFFF  }
0xab: {  	s26 =	simm.s32 $execute0_lowered;
	[smem:$0x3FD2] =	sst s25  }
0xac: {  	s7 =	sshll.u32 s26, $0x1;
	_ =	strace $0x80000046;
	[dreg:$0x1] =	wrdreg $0xFFFFFFFF  }
0xad: {  	s28 =	simm.s32 $_size_execute0_lowered;
	s5 =	sadd.s32 s5, s7;
	[dreg:$0x0] =	wrdreg $0x0  }
0xae: {  	s7 =	sshll.u32 s28, $0x1;
	[dreg:$0x2] =	wrdreg s5  }
0xaf: {  	[dreg:$0x3] =	wrdreg s7  }
0xb0: {  	[dreg:$0x4] =	wrdreg $0xC0  }
0xb1: {  	_ =	task [dreg:s9], $0x5FFFF  }
0xb2: {  	[dreg:$0x1] =	wrdreg $0xFFFFFFFF  }
0xb3: {  	[dreg:$0x0] =	wrdreg $0x60  }
0xb4: {  	[dreg:$0x2] =	wrdreg s16  }
0xb5: {  	[dreg:$0x3] =	wrdreg s24  }
0xb6: {  	[dreg:$0x4] =	wrdreg s18  }
0xb7: {  	[dreg:$0x5] =	wrdreg s17  }
0xb8: {  	[dreg:$0x6] =	wrdreg $0x9  }
0xb9: {  	_ =	task.clear_ibuf [dreg:s9], $0x7FFFF;
	_ =	strace $0x90000046  }
0xba: {  	s29 =	simm.s32 $0x9;
	_ =	strace $0x80000048  }
0xbb: {  	_ =	swait.ge [sflag:s29], $0x1  }
0xbc: {  	[sflag:s29] =	ssyncadd.s32 $0xFFFFFFFF  }
0xbd: {  	_ =	strace $0x90000048  }
0xbe: {  	_ =	sfence  }
0xbf: {  	s30 =	sld [smem:$0x0];
	_ =	sdelay $0x2  }
0xc0: {  	s31 =	sshll.u32 s1, $0xD;
	s1 =	sshrl.u32 s1, $0x2  }
0xc1: {  	s3 =	sand.u32 $0x4000, s31;
	s1 =	sadd.s32 s1, s30  }
0xc2: {  	s0 =	sor.u32 s3, s0;
	s1 =	sshll.u32 s1, $0x11  }
0xc3: {  	s0 =	sor.u32 s1, s0  }
0xc4: {  	s0 =	sadd.s32 $0x8F2B, s0  }
0xc5: {  	[sflag:s0] =	ssyncadd.remote.s32 $0x1  }
0xc6: {  	_ =	sfence.sel $0xFFFF  }
0xc7: {  	[dreg:$0x0] =	wrdreg $0xFFFFFFFF;
	(pc) =	sbr.abs _section_cstart, $3  }
0xc8: {  	[dreg:$0x1] =	wrdreg $0xFFFFFFFF  }
0xc9: {  	_ =	task.clear_ibuf [dreg:s9], $0x2FFFF;
	_ =	strace $0x9FFFFFFF  }
0xca: {  	(tm) =	ssettm $0x7FFFFFFF  }
0xcb: {  	_ =	shalt  }
tec
execute0_lowered:
.L_overlay_start_1:
0x0: {  	(tag) =	ssettag $0x1  }
0x1: {  	s3 =	rddreg [dreg:$0x0]  }
0x2: {  	s4 =	rddreg [dreg:$0x1]  }
0x3: {  	s0 =	stileid.u32;
	s5 =	rddreg [dreg:$0x2]  }
0x4: {  	s1 =	srdreg.scid;
	s6 =	rddreg [dreg:$0x3]  }
0x5: {  	s15 =	simm.s32 $0x1;
	s16 =	simm.s32 $0x3E00;
	s17 =	simm.s32 $0x2  }
0x6: {  	s18 =	simm.s32 $0x4380;
	s19 =	simm.s32 $0x4900;
	s20 =	simm.s32 $0x4E80  }
0x7: {  	s21 =	simm.s32 $0x5400;
	s22 =	simm.s32 $0x5980;
	s9 =	sshrl.u32 s0, $0x1  }
0x8: {  	s23 =	simm.s32 $0x0;
	s2 =	sshll.u32 s0, $0x1;
	s11 =	smul.u32 $0x1580, s9  }
0x9: {  	s7 =	sand.u32 $0x1, s1;
	s2 =	sand.u32 $0x2, s2;
	s12 =	smul.u32 $0xE, s9  }
0xa: {  	s1 =	rddreg [dreg:$0x4];
	s9 =	smul.u32 $0x38, s9;
	s8 =	sor.u32 s7, s2  }
0xb: {  	s2 =	simm.s32 $0x0;
	s7 =	ssub.s32 $0x2, s7;
	s10 =	smul.u32 $0x560, s8  }
0xc: {  	[smem:$0x7FF] =	sst s2;
	s31 =	sshrl.u32 s7, $0x1;
	s8 =	smul.u32 $0x764, s8  }
0xd: {  	s12 =	sadd.s32 s12, s4;
	s3 =	sadd.s32 s3, s9;
	s10 =	sadd.s32 s11, s10  }
0xe: {  	_ =	strace $0x80000047;
	s14 =	ssub.s32 s7, s31;
	s10 =	sshrl.u32 s10, $0x3  }
0xf: {  	s5 =	sadd.s32 s5, s8;
	s13 =	sadd.s32 s10, s4;
	s4 =	sadd.s32 $0x1600, s12  }
0x10: {  	s6 =	sadd.s32 s6, s10;
	s12 =	smax.u32 s14, $0x1;
	s14 =	simm.s32 $0x280  }
0x11: {  	s7 =	sadd.s32 $0x1800, s13;
	s8 =	sadd.s32 $0x5A00, s13;
	s9 =	sadd.s32 $0x7000, s13  }
0x12: {  	v0 =	vimm.s32 $0x0;
	s10 =	sadd.s32 $0x2E00, s13;
	s11 =	sadd.s32 $0x4400, s13;
	s13 =	simm.s32 $0x200  }
.LBB2_1:
0x13: {  	[tilespmem:s2], [sflag:$0x1] =	stream.linear.gather [hbm4b:s3+s2], $0x1C0, $0x38;
	[tilespmem:$0x5F00] =	vst v63  }
0x14: {  	_ = 	snop  }
0x15: {  	[tilespmem:s13], [sflag:$0x1] =	stream.linear.gather [hbm4b:s4+s2], $0x70, $0x38;
	[tilespmem:$0x5F00] =	vst v63  }
0x16: {  	_ = 	snop  }
0x17: {  	[tilespmem:s14], [sflag:$0x1] =	stream.linear.gather [hbm4b:s5+s2], $0x3B20, $0x38;
	[tilespmem:$0x5F00] =	vst v63  }
0x18: {  	_ =	swait.ge [sflag:s15], $0x1C0  }
0x19: {  	[sflag:s15] =	ssyncset.done $0x0  }
0x1a: {  	[sflag:s15] =	ssyncadd.s32 $0xFFFFFE40  }
0x1b: {  	_ =	swait.ge [sflag:s15], $0x70  }
0x1c: {  	[sflag:s15] =	ssyncset.done $0x0  }
0x1d: {  	[sflag:s15] =	ssyncadd.s32 $0xFFFFFF90  }
0x1e: {  	_ =	swait.ge [sflag:s15], $0x3B20  }
0x1f: {  	[sflag:s15] =	ssyncset.done $0x0  }
0x20: {  	s24 =	simm.s32 $0x370;
	[sflag:s15] =	ssyncadd.s32 $0xFFFFC4E0  }
0x21: {  	v1 =	vld [tilespmem:s24+$0xFFFFFF50]  }
0x22: {  	v2 =	vld [tilespmem:s24+$0xFFFFFF40]  }
0x23: {  	v3 =	vld [tilespmem:s24+$0xFFFFFF30]  }
0x24: {  	v4 =	vld [tilespmem:s24+$0xFFFFFF20];
	_ =	sdelay $0x4  }
0x25: {  	v5 =	vmax.f32 v3, v1;
	v6 =	vmax.f32 v4, v2  }
0x26: {  	v5 =	vmul.f32 v5, v6;
	_ =	sdelay $0x1  }
0x27: {  	v5 =	vadd.f32 $1.000000010e-10, v5;
	_ =	sdelay $0x1  }
0x28: {  	(erf) = vrcp.f32 v5;
	_ =	sdelay $0x5  }
0x29: {  	v47 =	vld [tilespmem:s24+$0xFFFFFF10]  }
0x2a: {  	v48 =	vmin.f32 v3, v1;
	v7 =	vmin.f32 v4, v2  }
0x2b: {  	v6 =	vmul.f32 v48, v7  }
0x2c: {  	v49 =	vpop (erf)  }
0x2d: {  	v6 =	vmul.f32 v49, v6  }
0x2e: {  	vm0 =	vlt.f32 v47, $9.999999000e+06  }
0x2f: {  	v7 =	vnsel vm0, $0x3F800000, v6  }
0x30: {  	v8 =	vshra.s32 v7, $0x1;
	v7 =	vmul.f32 $5.000000000e-01, v7  }
0x31: {  	v8 =	vsub.s32 $0x5F3759DF, v8  }
0x32: {  	v9 =	vmul.f32 v8, v7;
	_ =	sdelay $0x1  }
0x33: {  	v9 =	vmul.f32 v8, v9;
	_ =	sdelay $0x1  }
0x34: {  	v9 =	vsub.f32 $1.500000000e+00, v9;
	_ =	sdelay $0x1  }
0x35: {  	v8 =	vmul.f32 v8, v9;
	_ =	sdelay $0x1  }
0x36: {  	v9 =	vmul.f32 v8, v7;
	_ =	sdelay $0x1  }
0x37: {  	v9 =	vmul.f32 v9, v8;
	_ =	sdelay $0x1  }
0x38: {  	v9 =	vsub.f32 $1.500000000e+00, v9;
	_ =	sdelay $0x1  }
0x39: {  	v8 =	vmul.f32 v9, v8;
	_ =	sdelay $0x1  }
0x3a: {  	v7 =	vmul.f32 v8, v7;
	_ =	sdelay $0x1  }
0x3b: {  	v7 =	vmul.f32 v7, v8;
	_ =	sdelay $0x1  }
0x3c: {  	v50 =	vsub.f32 $1.500000000e+00, v7  }
0x3d: {  	s25 =	simm.s32 $0x10;
	v4 =	vnsel vm0, $0xBF800000, v4  }
0x3e: {  	v2 =	vnsel vm0, $0xBF800000, v2;
	[tilespmem:s25+$0x48F0] =	vst v4;
	v52 =	vmul.f32 v50, v8  }
0x3f: {  	vm1 =	vgt.f32 v47, $0.0e+00;
	v1 =	vnsel vm0, $0xBF800000, v1;
	[tilespmem:s25+$0x53F0] =	vst v2  }
0x40: {  	vm1 =	vmand vm0, vm1;
	v3 =	vnsel vm0, $0xBF800000, v3;
	[tilespmem:s25+$0x5970] =	vst v1;
	v2 =	vmul.f32 v52, v6  }
0x41: {  	v51 =	vsel vm1, $0x1, v0;
	[tilespmem:s25+$0x4E70] =	vst v3  }
0x42: {  	[tilespmem:s25+$0x3DF0] =	vst v51;
	v1 =	vnsel vm0, $0xBF800000, v2  }
0x43: {  	[tilespmem:s25+$0x4370] =	vst v1  }
0x44: {  	v2 =	vld [tilespmem:s24+$0x0]  }
0x45: {  	v3 =	vld [tilespmem:s24+$0xFFFFFFD0]  }
0x46: {  	v53 =	vld [tilespmem:s24+$0xFFFFFFF0]  }
0x47: {  	v54 =	vld [tilespmem:s24+$0xFFFFFFE0];
	_ =	sdelay $0x4  }
0x48: {  	v1 =	vmax.f32 v3, v53;
	v55 =	vmax.f32 v54, v2  }
0x49: {  	v1 =	vmul.f32 v55, v1;
	_ =	sdelay $0x1  }
0x4a: {  	v1 =	vadd.f32 $1.000000010e-10, v1;
	_ =	sdelay $0x1  }
0x4b: {  	(erf) = vrcp.f32 v1;
	_ =	sdelay $0x5  }
0x4c: {  	v56 =	vld [tilespmem:s24+$0xFFFFFFC0]  }
0x4d: {  	v57 =	vmin.f32 v54, v2;
	v1 =	vmin.f32 v3, v53  }
0x4e: {  	v1 =	vmul.f32 v57, v1  }
0x4f: {  	v58 =	vpop (erf)  }
0x50: {  	v1 =	vmul.f32 v58, v1  }
0x51: {  	vm0 =	vlt.f32 v56, $9.999999000e+06  }
0x52: {  	v7 =	vnsel vm0, $0x3F800000, v1  }
0x53: {  	v59 =	vshra.s32 v7, $0x1;
	v7 =	vmul.f32 $5.000000000e-01, v7  }
0x54: {  	v8 =	vsub.s32 $0x5F3759DF, v59  }
0x55: {  	v60 =	vmul.f32 v8, v7;
	_ =	sdelay $0x1  }
0x56: {  	v9 =	vmul.f32 v8, v60;
	_ =	sdelay $0x1  }
0x57: {  	v9 =	vsub.f32 $1.500000000e+00, v9;
	_ =	sdelay $0x1  }
0x58: {  	v8 =	vmul.f32 v8, v9;
	_ =	sdelay $0x1  }
0x59: {  	v9 =	vmul.f32 v8, v7;
	_ =	sdelay $0x1  }
0x5a: {  	v9 =	vmul.f32 v9, v8;
	_ =	sdelay $0x1  }
0x5b: {  	v9 =	vsub.f32 $1.500000000e+00, v9;
	_ =	sdelay $0x1  }
0x5c: {  	v8 =	vmul.f32 v9, v8;
	_ =	sdelay $0x1  }
0x5d: {  	v61 =	vmul.f32 v8, v7  }
0x5e: {  	v5 =	vnsel vm0, $0xBF800000, v54  }
0x5f: {  	v4 =	vnsel vm0, $0xBF800000, v53;
	[tilespmem:s25+$0x4E80] =	vst v5;
	v63 =	vmul.f32 v61, v8  }
0x60: {  	vm1 =	vgt.f32 v56, $0.0e+00;
	[tilespmem:s25+$0x5400] =	vst v4;
	v3 =	vnsel vm0, $0xBF800000, v3  }
0x61: {  	vm1 =	vmand vm0, vm1;
	v2 =	vnsel vm0, $0xBF800000, v2;
	[tilespmem:s25+$0x4900] =	vst v3;
	v3 =	vsub.f32 $1.500000000e+00, v63  }
0x62: {  	v62 =	vsel vm1, $0x1, v0;
	[tilespmem:s25+$0x5980] =	vst v2  }
0x63: {  	s26 =	simm.s32 $0xC0;
	[tilespmem:s25+$0x3E00] =	vst v62;
	v2 =	vmul.f32 v3, v8  }
.LBB2_2:
0x64: {  	p0 =	sne.s32 s26, $0x1540  }
0x65: {  	s24 =	sadd.s32 $0x160, s24;
	s28 =	smov.u32 s26;
	s26 =	sadd.s32 $0x80, s26;
	v1 =	vmul.f32 v2, v1  }
0x66: {  	_ = 	snop  }
0x67: {  	v1 =	vnsel vm0, $0xBF800000, v1  }
0x68: {  	[tilespmem:s25+$0x4380] =	vst v1  }
0x69: {  	v1 =	vld [tilespmem:s24+$0xFFFFFF50]  }
0x6a: {  	v2 =	vld [tilespmem:s24+$0xFFFFFF40]  }
0x6b: {  	v3 =	vld [tilespmem:s24+$0xFFFFFF30]  }
0x6c: {  	v4 =	vld [tilespmem:s24+$0xFFFFFF20];
	_ =	sdelay $0x3  }
0x6d: {  	v5 =	vmin.f32 v3, v1;
	v6 =	vmax.f32 v3, v1  }
0x6e: {  	v7 =	vmin.f32 v4, v2;
	v8 =	vmax.f32 v4, v2  }
0x6f: {  	v6 =	vmul.f32 v6, v8;
	_ =	sdelay $0x1  }
0x70: {  	v6 =	vadd.f32 $1.000000010e-10, v6;
	_ =	sdelay $0x1  }
0x71: {  	(erf) = vrcp.f32 v6;
	_ =	sdelay $0x5  }
0x72: {  	v6 =	vld [tilespmem:s24+$0xFFFFFF10];
	_ =	sdelay $0x1  }
0x73: {  	v5 =	vmul.f32 v5, v7  }
0x74: {  	v7 =	vpop (erf)  }
0x75: {  	v5 =	vmul.f32 v7, v5  }
0x76: {  	vm1 =	vgt.f32 v6, $0.0e+00;
	vm0 =	vlt.f32 v6, $9.999999000e+06  }
0x77: {  	s25 =	sshra.s32 s28, $0x2;
	v6 =	vnsel vm0, $0x3F800000, v5;
	vm1 =	vmand vm0, vm1;
	v4 =	vnsel vm0, $0xBF800000, v4  }
0x78: {  	v7 =	vshra.s32 v6, $0x1;
	v6 =	vmul.f32 $5.000000000e-01, v6;
	v8 =	vsel vm1, $0x1, v0;
	[tilespmem:s25+$0x48F0] =	vst v4  }
0x79: {  	v3 =	vnsel vm0, $0xBF800000, v3;
	v2 =	vnsel vm0, $0xBF800000, v2;
	v4 =	vsub.s32 $0x5F3759DF, v7;
	[tilespmem:s25+$0x3DF0] =	vst v8  }
0x7a: {  	v1 =	vnsel vm0, $0xBF800000, v1;
	v7 =	vmul.f32 v4, v6;
	[tilespmem:s25+$0x53F0] =	vst v2  }
0x7b: {  	[tilespmem:s25+$0x5970] =	vst v1  }
0x7c: {  	v1 =	vmul.f32 v4, v7;
	[tilespmem:s25+$0x4E70] =	vst v3;
	_ =	sdelay $0x1  }
0x7d: {  	v1 =	vsub.f32 $1.500000000e+00, v1;
	_ =	sdelay $0x1  }
0x7e: {  	v1 =	vmul.f32 v4, v1;
	_ =	sdelay $0x1  }
0x7f: {  	v2 =	vmul.f32 v1, v6;
	_ =	sdelay $0x1  }
0x80: {  	v2 =	vmul.f32 v2, v1;
	_ =	sdelay $0x1  }
0x81: {  	v2 =	vsub.f32 $1.500000000e+00, v2;
	_ =	sdelay $0x1  }
0x82: {  	v1 =	vmul.f32 v2, v1;
	_ =	sdelay $0x1  }
0x83: {  	v2 =	vmul.f32 v1, v6;
	_ =	sdelay $0x1  }
0x84: {  	v2 =	vmul.f32 v2, v1;
	_ =	sdelay $0x1  }
0x85: {  	v2 =	vsub.f32 $1.500000000e+00, v2;
	_ =	sdelay $0x1  }
0x86: {  	v1 =	vmul.f32 v2, v1;
	_ =	sdelay $0x1  }
0x87: {  	v1 =	vmul.f32 v1, v5;
	_ =	sdelay $0x1  }
0x88: {  	v1 =	vnsel vm0, $0xBF800000, v1  }
0x89: {  	[tilespmem:s25+$0x4370] =	vst v1  }
0x8a: {  	v2 =	vld [tilespmem:s24+$0x0]  }
0x8b: {  	v3 =	vld [tilespmem:s24+$0xFFFFFFD0]  }
0x8c: {  	v4 =	vld [tilespmem:s24+$0xFFFFFFF0]  }
0x8d: {  	v5 =	vld [tilespmem:s24+$0xFFFFFFE0];
	_ =	sdelay $0x3  }
0x8e: {  	v1 =	vmin.f32 v3, v4;
	v6 =	vmax.f32 v3, v4  }
0x8f: {  	v7 =	vmin.f32 v5, v2;
	v8 =	vmax.f32 v5, v2  }
0x90: {  	v6 =	vmul.f32 v8, v6;
	_ =	sdelay $0x1  }
0x91: {  	v6 =	vadd.f32 $1.000000010e-10, v6;
	_ =	sdelay $0x1  }
0x92: {  	(erf) = vrcp.f32 v6;
	_ =	sdelay $0x4  }
0x93: {  	v6 =	vld [tilespmem:s24+$0xFFFFFFC0];
	_ =	sdelay $0x1  }
0x94: {  	v1 =	vmul.f32 v7, v1;
	_ =	sdelay $0x1  }
0x95: {  	v7 =	vpop (erf)  }
0x96: {  	vm1 =	vgt.f32 v6, $0.0e+00;
	vm0 =	vlt.f32 v6, $9.999999000e+06;
	v1 =	vmul.f32 v7, v1  }
0x97: {  	vm1 =	vmand vm0, vm1;
	v5 =	vnsel vm0, $0xBF800000, v5;
	v4 =	vnsel vm0, $0xBF800000, v4  }
0x98: {  	v3 =	vnsel vm0, $0xBF800000, v3;
	v6 =	vnsel vm0, $0x3F800000, v1;
	v7 =	vsel vm1, $0x1, v0;
	[tilespmem:s25+$0x4E80] =	vst v5  }
0x99: {  	v2 =	vnsel vm0, $0xBF800000, v2;
	v5 =	vshra.s32 v6, $0x1;
	v6 =	vmul.f32 $5.000000000e-01, v6;
	[tilespmem:s25+$0x3E00] =	vst v7  }
0x9a: {  	v5 =	vsub.s32 $0x5F3759DF, v5;
	[tilespmem:s25+$0x4900] =	vst v3  }
0x9b: {  	v3 =	vmul.f32 v5, v6;
	[tilespmem:s25+$0x5400] =	vst v4  }
0x9c: {  	[tilespmem:s25+$0x5980] =	vst v2  }
0x9d: {  	v2 =	vmul.f32 v5, v3;
	_ =	sdelay $0x1  }
0x9e: {  	v2 =	vsub.f32 $1.500000000e+00, v2;
	_ =	sdelay $0x1  }
0x9f: {  	v2 =	vmul.f32 v5, v2;
	_ =	sdelay $0x1  }
0xa0: {  	v3 =	vmul.f32 v2, v6;
	_ =	sdelay $0x1  }
0xa1: {  	v3 =	vmul.f32 v3, v2;
	_ =	sdelay $0x1  }
0xa2: {  	v3 =	vsub.f32 $1.500000000e+00, v3;
	_ =	sdelay $0x1  }
0xa3: {  	v2 =	vmul.f32 v3, v2;
	_ =	sdelay $0x1  }
0xa4: {  	v3 =	vmul.f32 v2, v6;
	_ =	sdelay $0x1  }
.Ltmp0:
0xa5: {  	v3 =	vmul.f32 v3, v2;
	(pc) =	sbr.rel @p0 .LBB2_2-.Ltmp0, $3  }
0xa6: {  	_ = 	snop  }
0xa7: {  	v3 =	vsub.f32 $1.500000000e+00, v3;
	_ =	sdelay $0x1  }
0xa8: {  	v2 =	vmul.f32 v3, v2  }
0xa9: {  	_ = 	snop  }
0xaa: {  	v1 =	vmul.f32 v2, v1;
	_ =	sdelay $0x1  }
0xab: {  	v1 =	vnsel vm0, $0xBF800000, v1  }
0xac: {  	[tilespmem:s25+$0x4380] =	vst v1  }
0xad: {  	[hbm4b:s6+s2] =	stream.linear.scatter [tilespmem:s16], [sflag:$0x2], $0x560, $0x38;
	[tilespmem:$0x5F00] =	vst v63  }
0xae: {  	_ =	swait.ge [sflag:s17], $0x560  }
0xaf: {  	[sflag:s17] =	ssyncset.done $0x0  }
0xb0: {  	[sflag:s17] =	ssyncadd.s32 $0xFFFFFAA0  }
0xb1: {  	[hbm4b:s7+s2] =	stream.linear.scatter [tilespmem:s18], [sflag:$0x2], $0x560, $0x38;
	[tilespmem:$0x5F00] =	vst v63  }
0xb2: {  	_ =	swait.ge [sflag:s17], $0x560  }
0xb3: {  	[sflag:s17] =	ssyncset.done $0x0  }
0xb4: {  	[sflag:s17] =	ssyncadd.s32 $0xFFFFFAA0  }
0xb5: {  	[hbm4b:s8+s2] =	stream.linear.scatter [tilespmem:s19], [sflag:$0x2], $0x560, $0x38;
	[tilespmem:$0x5F00] =	vst v63  }
0xb6: {  	_ =	swait.ge [sflag:s17], $0x560  }
0xb7: {  	[sflag:s17] =	ssyncset.done $0x0  }
0xb8: {  	[sflag:s17] =	ssyncadd.s32 $0xFFFFFAA0  }
0xb9: {  	[hbm4b:s9+s2] =	stream.linear.scatter [tilespmem:s20], [sflag:$0x2], $0x560, $0x38;
	[tilespmem:$0x5F00] =	vst v63  }
0xba: {  	_ =	swait.ge [sflag:s17], $0x560  }
0xbb: {  	[sflag:s17] =	ssyncset.done $0x0  }
0xbc: {  	[sflag:s17] =	ssyncadd.s32 $0xFFFFFAA0  }
0xbd: {  	[hbm4b:s10+s2] =	stream.linear.scatter [tilespmem:s21], [sflag:$0x2], $0x560, $0x38;
	[tilespmem:$0x5F00] =	vst v63  }
0xbe: {  	s23 =	sadd.s32 $0x1, s23;
	_ =	swait.ge [sflag:s17], $0x560  }
0xbf: {  	p0 =	sne.s32 s23, s12;
	[sflag:s17] =	ssyncset.done $0x0  }
.Ltmp1:
0xc0: {  	[sflag:s17] =	ssyncadd.s32 $0xFFFFFAA0;
	(pc) =	sbr.rel @p0 .LBB2_1-.Ltmp1, $4  }
0xc1: {  	[hbm4b:s11+s2] =	stream.linear.scatter [tilespmem:s22], [sflag:$0x2], $0x560, $0x38;
	[tilespmem:$0x5F00] =	vst v63  }
0xc2: {  	_ =	swait.ge [sflag:s17], $0x560  }
0xc3: {  	[sflag:s17] =	ssyncset.done $0x0  }
0xc4: {  	[sflag:s17] =	ssyncadd.s32 $0xFFFFFAA0  }
0xc5: {  	_ =	sfence.sel $0x180000  }
0xc6: {  	[bflag:$0x0] =	sbarrier.arrive $0xFFFF  }
0xc7: {  	p0 =	sne.s32 s0, $0x0;
	_ =	strace $0x90000047  }
0xc8: {  	s0 =	sadd.s32 @!p0 $0x100000, s1;
	[bflag:$0x2] =	sbarrier.arrive $0xFFFF  }
0xc9: {  	[sflag:s0] =	ssyncadd.tile.s32 @!p0 $0x1;
	_ =	shalt  }
.Lfunc_end2:
_tile_overlayer_lowered:
.L_overlay_start_2:
0xca: {  	(tag) =	ssettag $0x2  }
0xcb: {  	s0 =	rddreg [dreg:$0x0];
	s2 =	stileid.u32  }
0xcc: {  	s1 =	rddreg [dreg:$0x1];
	p0 =	sne.s32 s2, $0x0  }
0xcd: {  	s3 =	rddreg [dreg:$0x2];
	[bflag:$0x3] =	sbarrier.arrive $0xFFFF;
	s2 =	simm.s32 @!p0 $0x1C02  }
0xce: {  	[timem:s3], [sflag:s2] =	dma.local @!p0 [hbm:s0], s1  }
0xcf: {  	s0 =	simm.s32 @!p0 $0x2  }
0xd0: {  	_ =	swait.ge @!p0 [sflag:s0], s1  }
0xd1: {  	s1 =	ssub.s32 @!p0 $0x0, s1;
	[sflag:s0] =	ssyncset.done @!p0 $0x0  }
0xd2: {  	[sflag:s0] =	ssyncadd.s32 @!p0 s1  }
0xd3: {  	[bflag:$0x3] =	sbarrier.arrive $0xFFFF  }
0xd4: {  	_ =	shalt  }

</sc_bundles>
